<compile_context>
chip_gen: v7x
topology: tpu7x:2x2x1
jax: 0.10.2.dev20260603
libtpu: 0.0.44.dev20260713+nightly
codegen_flags: <defaults>
</compile_context>

<pallas_src>
import jax
import jax.numpy as jnp
from jax import lax
from jax.experimental import pallas as pl
from jax.experimental.pallas import tpu as pltpu
from jax.experimental.pallas import tpu_sc as plsc

BATCH = 16384
NC, NS, L = 2, 16, 16
NW = NC * NS
BPW = BATCH // NW
D_CONST = 1.702


def _abc_body(item_hbm, a_hbm, b_hbm, c_hbm, a_out, b_out, c_out,
              iidx, av, bv, cv, sem):
    wid = lax.axis_index("s") * NC + lax.axis_index("c")
    base = wid * BPW
    pltpu.sync_copy(item_hbm.at[pl.ds(base, BPW)], iidx)
    c2 = pltpu.async_copy(a_hbm.at[iidx], av, sem)
    c3 = pltpu.async_copy(b_hbm.at[iidx], bv, sem)
    c4 = pltpu.async_copy(c_hbm.at[iidx], cv, sem)
    c2.wait()
    pltpu.sync_copy(av, a_out.at[pl.ds(base, BPW)])
    c3.wait()
    pltpu.sync_copy(bv, b_out.at[pl.ds(base, BPW)])
    c4.wait()
    pltpu.sync_copy(cv, c_out.at[pl.ds(base, BPW)])


def _irf_body(user_hbm, theta_hbm, a_hbm, b_hbm, c_hbm, out_hbm,
              uidx, tv, av, bv, cv, ov, isem, gsem):
    wid = lax.axis_index("s") * NC + lax.axis_index("c")
    base = wid * BPW
    sl_all = pl.ds(base, BPW)
    pltpu.sync_copy(user_hbm.at[sl_all], uidx)
    cg = pltpu.async_copy(theta_hbm.at[uidx], tv, gsem)
    ca = pltpu.async_copy(a_hbm.at[sl_all], av, isem)
    cb = pltpu.async_copy(b_hbm.at[sl_all], bv, isem)
    cc = pltpu.async_copy(c_hbm.at[sl_all], cv, isem)
    ca.wait(); cb.wait(); cc.wait(); cg.wait()
    for j in range(BPW // L):
        sl = pl.ds(j * L, L)
        t = tv[sl]
        a = jnp.maximum(av[sl], 0.001)
        b = bv[sl]
        c = jnp.clip(cv[sl], 0.0, 1.0)
        sig = 1.0 / (1.0 + jnp.exp(-D_CONST * a * (t - b)))
        ov[sl] = c + (1.0 - c) * sig
    pltpu.sync_copy(ov, out_hbm.at[sl_all])


def kernel(user, item, theta_w, a_w, b_w, c_w):
    user = user.astype(jnp.int32)
    item = item.astype(jnp.int32)
    a_flat = a_w.reshape(-1)
    b_flat = b_w.reshape(-1)
    c_flat = c_w.reshape(-1)
    theta_flat = theta_w.reshape(-1)
    mesh = plsc.VectorSubcoreMesh(core_axis_name="c", subcore_axis_name="s")
    vals = jax.ShapeDtypeStruct((BATCH,), jnp.float32)
    abc = pl.kernel(
        _abc_body,
        mesh=mesh,
        out_type=(vals, vals, vals),
        scratch_types=[
            pltpu.VMEM((BPW,), jnp.int32),
            pltpu.VMEM((BPW,), jnp.float32),
            pltpu.VMEM((BPW,), jnp.float32),
            pltpu.VMEM((BPW,), jnp.float32),
            pltpu.SemaphoreType.DMA,
        ],
    )
    a_v, b_v, c_v = abc(item, a_flat, b_flat, c_flat)

    irf = pl.kernel(
        _irf_body,
        mesh=mesh,
        out_type=vals,
        scratch_types=[
            pltpu.VMEM((BPW,), jnp.int32),
            pltpu.VMEM((BPW,), jnp.float32),
            pltpu.VMEM((BPW,), jnp.float32),
            pltpu.VMEM((BPW,), jnp.float32),
            pltpu.VMEM((BPW,), jnp.float32),
            pltpu.VMEM((BPW,), jnp.float32),
            pltpu.SemaphoreType.DMA,
            pltpu.SemaphoreType.DMA,
        ],
    )
    return irf(user, theta_flat, a_v, b_v, c_v)

# --- scband reference (transcript-rebuilt; emitter-appended) ---
"""Pipeline reference for scband-irtnet-15418932592925 (READ-ONLY COPY).

The authoritative reference and input builder live on the scoring server;
editing this copy changes nothing except your own understanding.
"""

import jax, jax.numpy as jnp
import numpy as np

USER_NUM = 1000000
ITEM_NUM = 100000
BATCH = 16384


def setup_inputs(seed: int = 0) -> dict:
    key = jax.random.key(seed)
    k_user, k_item, k_theta, k_a, k_b, k_c = jax.random.split(key, 6)
    user = jax.random.randint(k_user, (BATCH,), 0, USER_NUM, dtype=jnp.int64) if jax.config.jax_enable_x64 else jax.random.randint(k_user, (BATCH,), 0, USER_NUM, dtype=jnp.int32)
    item = jax.random.randint(k_item, (BATCH,), 0, ITEM_NUM, dtype=jnp.int32)
    # Embedding tables (learned params). theta/b default init ~ N(0,1); a/c uniform per nn.init.uniform_
    theta_w = jax.random.normal(k_theta, (USER_NUM, 1), dtype=jnp.float32)
    a_w = jax.random.uniform(k_a, (ITEM_NUM, 1), dtype=jnp.float32)
    b_w = jax.random.normal(k_b, (ITEM_NUM, 1), dtype=jnp.float32)
    c_w = jax.random.uniform(k_c, (ITEM_NUM, 1), dtype=jnp.float32)
    return {"user": user, "item": item, "theta_w": theta_w, "a_w": a_w, "b_w": b_w, "c_w": c_w}


def _irf(theta, a, b, c, D=1.702):
    c_cl = jnp.clip(c, 0.0, 1.0)
    a_cl = jnp.maximum(a, 0.001)
    return c_cl + (1.0 - c_cl) / (1.0 + jnp.exp(-D * a_cl * (theta - b)))


def reference(user, item, theta_w, a_w, b_w, c_w):
    theta = jnp.squeeze(jnp.take(theta_w, user, axis=0), axis=-1)
    a = jnp.squeeze(jnp.take(a_w, item, axis=0), axis=-1)
    b = jnp.squeeze(jnp.take(b_w, item, axis=0), axis=-1)
    c = jnp.squeeze(jnp.take(c_w, item, axis=0), axis=-1)
    return _irf(theta, a, b, c)

if __name__ == "__main__":
    import jax
    _d = setup_inputs()
    print(jax.jit(kernel)(*tuple(_d.values())))

</pallas_src>

<mosaic_0001>
#map = affine_map<(d0, d1) -> (0)>
module attributes {stable_mosaic.version = 14 : i64} {
  func.func @_irf_body(%arg0: i32, %arg1: i32, %arg2: memref<16384xi32, #tpu.memory_space<hbm>>, %arg3: memref<1000000xf32, #tpu.memory_space<hbm>>, %arg4: memref<16384xf32, #tpu.memory_space<hbm>>, %arg5: memref<16384xf32, #tpu.memory_space<hbm>>, %arg6: memref<16384xf32, #tpu.memory_space<hbm>>, %arg7: memref<16384xf32, #tpu.memory_space<hbm>>, %arg8: memref<512xi32, #tpu.memory_space<vmem>>, %arg9: memref<512xf32, #tpu.memory_space<vmem>>, %arg10: memref<512xf32, #tpu.memory_space<vmem>>, %arg11: memref<512xf32, #tpu.memory_space<vmem>>, %arg12: memref<512xf32, #tpu.memory_space<vmem>>, %arg13: memref<512xf32, #tpu.memory_space<vmem>>, %arg14: memref<!tpu.dma_semaphore, #tpu.memory_space<semaphore_mem>>, %arg15: memref<!tpu.dma_semaphore, #tpu.memory_space<semaphore_mem>>) attributes {dimension_semantics = [#tpu.dimension_semantics<core_parallel>, #tpu.dimension_semantics<subcore_parallel>], iteration_bounds = array<i64: 2, 16>, scalar_prefetch = 0 : i64, scratch_operands = 8 : i64, tpu.core_type = #tpu.core_type<sc_vector_subcore>, window_params = [{transform_indices = #map}, {transform_indices = #map}, {transform_indices = #map}, {transform_indices = #map}, {transform_indices = #map}, {transform_indices = #map}]} {
    %mul3A = arith.constant 2 : i32
    %mul3A_0 = arith.muli %arg1, %mul3A : i32
    %add3A = arith.addi %mul3A_0, %arg0 : i32
    %mul3A_1 = arith.constant 512 : i32
    %mul3A_2 = arith.muli %add3A, %mul3A_1 : i32
    "tpu.region"() ({
      %run_scoped3A = tpu.sem_alloc : memref<!tpu.dma_semaphore, #tpu.memory_space<semaphore_mem>>
      %dma_start3A_1353 = tpu.memref_slice %arg2[%mul3A_2] : memref<16384xi32, #tpu.memory_space<hbm>> -> memref<512xi32, #tpu.memory_space<hbm>>
      %dma_start3A_1354 = tpu.memref_slice %arg2[%mul3A_2] : memref<16384xi32, #tpu.memory_space<hbm>> -> memref<512xi32, #tpu.memory_space<hbm>>
      tpu.enqueue_dma source(%dma_start3A_1354 : memref<512xi32, #tpu.memory_space<hbm>>) target(%arg8 : memref<512xi32, #tpu.memory_space<vmem>>) target_semaphore(%run_scoped3A : memref<!tpu.dma_semaphore, #tpu.memory_space<semaphore_mem>>)
      %dma_wait3A_1355 = tpu.memref_slice %arg2[%mul3A_2] : memref<16384xi32, #tpu.memory_space<hbm>> -> memref<512xi32, #tpu.memory_space<hbm>>
      %dma_wait3A_1356 = tpu.memref_slice %arg2[%mul3A_2] : memref<16384xi32, #tpu.memory_space<hbm>> -> memref<512xi32, #tpu.memory_space<hbm>>
      tpu.wait_dma2 semaphore(%run_scoped3A : memref<!tpu.dma_semaphore, #tpu.memory_space<semaphore_mem>>) src(%dma_wait3A_1356 : memref<512xi32, #tpu.memory_space<hbm>>) dst(%arg8 : memref<512xi32, #tpu.memory_space<vmem>>)
      tpu.yield
    }) : () -> ()
    %dma_start3A = arith.constant 0 : i32
    %dma_start3A_3 = tpu.memref_slice %arg3[%dma_start3A] : memref<1000000xf32, #tpu.memory_space<hbm>> -> memref<1000000xf32, #tpu.memory_space<hbm>>
    tpu.enqueue_indirect_dma source(%dma_start3A_3 : memref<1000000xf32, #tpu.memory_space<hbm>>) target(%arg9 : memref<512xf32, #tpu.memory_space<vmem>>) offsets(%arg8 : memref<512xi32, #tpu.memory_space<vmem>>) semaphore(%arg15 : memref<!tpu.dma_semaphore, #tpu.memory_space<semaphore_mem>>)
    %dma_start3A_4 = tpu.memref_slice %arg4[%mul3A_2] : memref<16384xf32, #tpu.memory_space<hbm>> -> memref<512xf32, #tpu.memory_space<hbm>>
    %dma_start3A_5 = tpu.memref_slice %arg4[%mul3A_2] : memref<16384xf32, #tpu.memory_space<hbm>> -> memref<512xf32, #tpu.memory_space<hbm>>
    tpu.enqueue_dma source(%dma_start3A_5 : memref<512xf32, #tpu.memory_space<hbm>>) target(%arg10 : memref<512xf32, #tpu.memory_space<vmem>>) target_semaphore(%arg14 : memref<!tpu.dma_semaphore, #tpu.memory_space<semaphore_mem>>)
    %dma_start3A_6 = tpu.memref_slice %arg5[%mul3A_2] : memref<16384xf32, #tpu.memory_space<hbm>> -> memref<512xf32, #tpu.memory_space<hbm>>
    %dma_start3A_7 = tpu.memref_slice %arg5[%mul3A_2] : memref<16384xf32, #tpu.memory_space<hbm>> -> memref<512xf32, #tpu.memory_space<hbm>>
    tpu.enqueue_dma source(%dma_start3A_7 : memref<512xf32, #tpu.memory_space<hbm>>) target(%arg11 : memref<512xf32, #tpu.memory_space<vmem>>) target_semaphore(%arg14 : memref<!tpu.dma_semaphore, #tpu.memory_space<semaphore_mem>>)
    %dma_start3A_8 = tpu.memref_slice %arg6[%mul3A_2] : memref<16384xf32, #tpu.memory_space<hbm>> -> memref<512xf32, #tpu.memory_space<hbm>>
    %dma_start3A_9 = tpu.memref_slice %arg6[%mul3A_2] : memref<16384xf32, #tpu.memory_space<hbm>> -> memref<512xf32, #tpu.memory_space<hbm>>
    tpu.enqueue_dma source(%dma_start3A_9 : memref<512xf32, #tpu.memory_space<hbm>>) target(%arg12 : memref<512xf32, #tpu.memory_space<vmem>>) target_semaphore(%arg14 : memref<!tpu.dma_semaphore, #tpu.memory_space<semaphore_mem>>)
    %dma_wait3A = tpu.memref_slice %arg4[%mul3A_2] : memref<16384xf32, #tpu.memory_space<hbm>> -> memref<512xf32, #tpu.memory_space<hbm>>
    %dma_wait3A_10 = tpu.memref_slice %arg4[%mul3A_2] : memref<16384xf32, #tpu.memory_space<hbm>> -> memref<512xf32, #tpu.memory_space<hbm>>
    tpu.wait_dma2 semaphore(%arg14 : memref<!tpu.dma_semaphore, #tpu.memory_space<semaphore_mem>>) src(%dma_wait3A_10 : memref<512xf32, #tpu.memory_space<hbm>>) dst(%arg10 : memref<512xf32, #tpu.memory_space<vmem>>)
    %dma_wait3A_11 = tpu.memref_slice %arg5[%mul3A_2] : memref<16384xf32, #tpu.memory_space<hbm>> -> memref<512xf32, #tpu.memory_space<hbm>>
    %dma_wait3A_12 = tpu.memref_slice %arg5[%mul3A_2] : memref<16384xf32, #tpu.memory_space<hbm>> -> memref<512xf32, #tpu.memory_space<hbm>>
    tpu.wait_dma2 semaphore(%arg14 : memref<!tpu.dma_semaphore, #tpu.memory_space<semaphore_mem>>) src(%dma_wait3A_12 : memref<512xf32, #tpu.memory_space<hbm>>) dst(%arg11 : memref<512xf32, #tpu.memory_space<vmem>>)
    %dma_wait3A_13 = tpu.memref_slice %arg6[%mul3A_2] : memref<16384xf32, #tpu.memory_space<hbm>> -> memref<512xf32, #tpu.memory_space<hbm>>
    %dma_wait3A_14 = tpu.memref_slice %arg6[%mul3A_2] : memref<16384xf32, #tpu.memory_space<hbm>> -> memref<512xf32, #tpu.memory_space<hbm>>
    tpu.wait_dma2 semaphore(%arg14 : memref<!tpu.dma_semaphore, #tpu.memory_space<semaphore_mem>>) src(%dma_wait3A_14 : memref<512xf32, #tpu.memory_space<hbm>>) dst(%arg12 : memref<512xf32, #tpu.memory_space<vmem>>)
    %dma_wait3A_15 = arith.constant 0 : i32
    %dma_wait3A_16 = tpu.memref_slice %arg3[%dma_wait3A_15] : memref<1000000xf32, #tpu.memory_space<hbm>> -> memref<1000000xf32, #tpu.memory_space<hbm>>
    tpu.wait_indirect_dma semaphore(%arg15 : memref<!tpu.dma_semaphore, #tpu.memory_space<semaphore_mem>>) src(%dma_wait3A_16 : memref<1000000xf32, #tpu.memory_space<hbm>>) dst(%arg9 : memref<512xf32, #tpu.memory_space<vmem>>)
    %get3A = arith.constant 0 : index
    %get3A_17 = tpu.vector_load %arg9[%get3A] {strides = array<i32>} : memref<512xf32, #tpu.memory_space<vmem>>, vector<16xf32>,
    %get3A_18 = vector.shape_cast %get3A_17 : vector<16xf32> to vector<16xf32>
    %get3A_19 = arith.constant 0 : index
    %get3A_20 = tpu.vector_load %arg10[%get3A_19] {strides = array<i32>} : memref<512xf32, #tpu.memory_space<vmem>>, vector<16xf32>,
    %get3A_21 = vector.shape_cast %get3A_20 : vector<16xf32> to vector<16xf32>
    %max3A = arith.constant 1.000000e-03 : f32
    %max3A_22 = vector.broadcast %max3A : f32 to vector<16xf32>
    %max3A_23 = arith.maximumf %get3A_21, %max3A_22 : vector<16xf32>
    %get3A_24 = arith.constant 0 : index
    %get3A_25 = tpu.vector_load %arg11[%get3A_24] {strides = array<i32>} : memref<512xf32, #tpu.memory_space<vmem>>, vector<16xf32>,
    %get3A_26 = vector.shape_cast %get3A_25 : vector<16xf32> to vector<16xf32>
    %get3A_27 = arith.constant 0 : index
    %get3A_28 = tpu.vector_load %arg12[%get3A_27] {strides = array<i32>} : memref<512xf32, #tpu.memory_space<vmem>>, vector<16xf32>,
    %get3A_29 = vector.shape_cast %get3A_28 : vector<16xf32> to vector<16xf32>
    %jit3A = arith.constant 0.000000e+00 : f32
    %jit3A_30 = arith.constant 1.000000e+00 : f32
    %max3A_31 = vector.broadcast %jit3A : f32 to vector<16xf32>
    %max3A_32 = arith.maximumf %max3A_31, %get3A_29 : vector<16xf32>
    %min3A = vector.broadcast %jit3A_30 : f32 to vector<16xf32>
    %min3A_33 = arith.minimumf %min3A, %max3A_32 : vector<16xf32>
    %mul3A_34 = arith.constant -1.702000e+00 : f32
    %mul3A_35 = vector.broadcast %mul3A_34 : f32 to vector<16xf32>
    %mul3A_36 = arith.mulf %mul3A_35, %max3A_23 : vector<16xf32>
    %sub3A = arith.subf %get3A_18, %get3A_26 : vector<16xf32>
    %mul3A_37 = arith.mulf %mul3A_36, %sub3A : vector<16xf32>
    %exp3A = math.exp %mul3A_37 : vector<16xf32>
    %add3A_38 = arith.constant 1.000000e+00 : f32
    %add3A_39 = vector.broadcast %add3A_38 : f32 to vector<16xf32>
    %add3A_40 = arith.addf %add3A_39, %exp3A : vector<16xf32>
    %div3A = arith.constant 1.000000e+00 : f32
    %div3A_41 = vector.broadcast %div3A : f32 to vector<16xf32>
    %div3A_42 = arith.divf %div3A_41, %add3A_40 : vector<16xf32>
    %sub3A_43 = arith.constant 1.000000e+00 : f32
    %sub3A_44 = vector.broadcast %sub3A_43 : f32 to vector<16xf32>
    %sub3A_45 = arith.subf %sub3A_44, %min3A_33 : vector<16xf32>
    %mul3A_46 = arith.mulf %sub3A_45, %div3A_42 : vector<16xf32>
    %add3A_47 = arith.addf %min3A_33, %mul3A_46 : vector<16xf32>
    %swap3A = arith.constant 0 : index
    %swap3A_48 = tpu.vector_load %arg13[%swap3A] {strides = array<i32>} : memref<512xf32, #tpu.memory_space<vmem>>, vector<16xf32>,
    %swap3A_49 = vector.shape_cast %swap3A_48 : vector<16xf32> to vector<16xf32>
    %swap3A_50 = vector.shape_cast %add3A_47 : vector<16xf32> to vector<16xf32>
    tpu.vector_store %arg13[%swap3A], %swap3A_50 {strides = array<i32>} : memref<512xf32, #tpu.memory_space<vmem>>, vector<16xf32>,
    %get3A_51 = arith.constant 16 : index
    %get3A_52 = tpu.vector_load %arg9[%get3A_51] {strides = array<i32>} : memref<512xf32, #tpu.memory_space<vmem>>, vector<16xf32>,
    %get3A_53 = vector.shape_cast %get3A_52 : vector<16xf32> to vector<16xf32>
    %get3A_54 = arith.constant 16 : index
    %get3A_55 = tpu.vector_load %arg10[%get3A_54] {strides = array<i32>} : memref<512xf32, #tpu.memory_space<vmem>>, vector<16xf32>,
    %get3A_56 = vector.shape_cast %get3A_55 : vector<16xf32> to vector<16xf32>
    %max3A_57 = arith.constant 1.000000e-03 : f32
    %max3A_58 = vector.broadcast %max3A_57 : f32 to vector<16xf32>
    %max3A_59 = arith.maximumf %get3A_56, %max3A_58 : vector<16xf32>
    %get3A_60 = arith.constant 16 : index
    %get3A_61 = tpu.vector_load %arg11[%get3A_60] {strides = array<i32>} : memref<512xf32, #tpu.memory_space<vmem>>, vector<16xf32>,
    %get3A_62 = vector.shape_cast %get3A_61 : vector<16xf32> to vector<16xf32>
    %get3A_63 = arith.constant 16 : index
    %get3A_64 = tpu.vector_load %arg12[%get3A_63] {strides = array<i32>} : memref<512xf32, #tpu.memory_space<vmem>>, vector<16xf32>,
    %get3A_65 = vector.shape_cast %get3A_64 : vector<16xf32> to vector<16xf32>
    %jit3A_66 = arith.constant 0.000000e+00 : f32
    %jit3A_67 = arith.constant 1.000000e+00 : f32
    %max3A_68 = vector.broadcast %jit3A_66 : f32 to vector<16xf32>
    %max3A_69 = arith.maximumf %max3A_68, %get3A_65 : vector<16xf32>
    %min3A_70 = vector.broadcast %jit3A_67 : f32 to vector<16xf32>
    %min3A_71 = arith.minimumf %min3A_70, %max3A_69 : vector<16xf32>
    %mul3A_72 = arith.constant -1.702000e+00 : f32
    %mul3A_73 = vector.broadcast %mul3A_72 : f32 to vector<16xf32>
    %mul3A_74 = arith.mulf %mul3A_73, %max3A_59 : vector<16xf32>
    %sub3A_75 = arith.subf %get3A_53, %get3A_62 : vector<16xf32>
    %mul3A_76 = arith.mulf %mul3A_74, %sub3A_75 : vector<16xf32>
    %exp3A_77 = math.exp %mul3A_76 : vector<16xf32>
    %add3A_78 = arith.constant 1.000000e+00 : f32
    %add3A_79 = vector.broadcast %add3A_78 : f32 to vector<16xf32>
    %add3A_80 = arith.addf %add3A_79, %exp3A_77 : vector<16xf32>
    %div3A_81 = arith.constant 1.000000e+00 : f32
    %div3A_82 = vector.broadcast %div3A_81 : f32 to vector<16xf32>
    %div3A_83 = arith.divf %div3A_82, %add3A_80 : vector<16xf32>
    %sub3A_84 = arith.constant 1.000000e+00 : f32
    %sub3A_85 = vector.broadcast %sub3A_84 : f32 to vector<16xf32>
    %sub3A_86 = arith.subf %sub3A_85, %min3A_71 : vector<16xf32>
    %mul3A_87 = arith.mulf %sub3A_86, %div3A_83 : vector<16xf32>
    %add3A_88 = arith.addf %min3A_71, %mul3A_87 : vector<16xf32>
    %swap3A_89 = arith.constant 16 : index
    %swap3A_90 = tpu.vector_load %arg13[%swap3A_89] {strides = array<i32>} : memref<512xf32, #tpu.memory_space<vmem>>, vector<16xf32>,
    %swap3A_91 = vector.shape_cast %swap3A_90 : vector<16xf32> to vector<16xf32>
    %swap3A_92 = vector.shape_cast %add3A_88 : vector<16xf32> to vector<16xf32>
    tpu.vector_store %arg13[%swap3A_89], %swap3A_92 {strides = array<i32>} : memref<512xf32, #tpu.memory_space<vmem>>, vector<16xf32>,
    %get3A_93 = arith.constant 32 : index
    %get3A_94 = tpu.vector_load %arg9[%get3A_93] {strides = array<i32>} : memref<512xf32, #tpu.memory_space<vmem>>, vector<16xf32>,
    %get3A_95 = vector.shape_cast %get3A_94 : vector<16xf32> to vector<16xf32>
    %get3A_96 = arith.constant 32 : index
    %get3A_97 = tpu.vector_load %arg10[%get3A_96] {strides = array<i32>} : memref<512xf32, #tpu.memory_space<vmem>>, vector<16xf32>,
    %get3A_98 = vector.shape_cast %get3A_97 : vector<16xf32> to vector<16xf32>
    %max3A_99 = arith.constant 1.000000e-03 : f32
    %max3A_100 = vector.broadcast %max3A_99 : f32 to vector<16xf32>
    %max3A_101 = arith.maximumf %get3A_98, %max3A_100 : vector<16xf32>
    %get3A_102 = arith.constant 32 : index
    %get3A_103 = tpu.vector_load %arg11[%get3A_102] {strides = array<i32>} : memref<512xf32, #tpu.memory_space<vmem>>, vector<16xf32>,
    %get3A_104 = vector.shape_cast %get3A_103 : vector<16xf32> to vector<16xf32>
    %get3A_105 = arith.constant 32 : index
    %get3A_106 = tpu.vector_load %arg12[%get3A_105] {strides = array<i32>} : memref<512xf32, #tpu.memory_space<vmem>>, vector<16xf32>,
    %get3A_107 = vector.shape_cast %get3A_106 : vector<16xf32> to vector<16xf32>
    %jit3A_108 = arith.constant 0.000000e+00 : f32
    %jit3A_109 = arith.constant 1.000000e+00 : f32
    %max3A_110 = vector.broadcast %jit3A_108 : f32 to vector<16xf32>
    %max3A_111 = arith.maximumf %max3A_110, %get3A_107 : vector<16xf32>
    %min3A_112 = vector.broadcast %jit3A_109 : f32 to vector<16xf32>
    %min3A_113 = arith.minimumf %min3A_112, %max3A_111 : vector<16xf32>
    %mul3A_114 = arith.constant -1.702000e+00 : f32
    %mul3A_115 = vector.broadcast %mul3A_114 : f32 to vector<16xf32>
    %mul3A_116 = arith.mulf %mul3A_115, %max3A_101 : vector<16xf32>
    %sub3A_117 = arith.subf %get3A_95, %get3A_104 : vector<16xf32>
    %mul3A_118 = arith.mulf %mul3A_116, %sub3A_117 : vector<16xf32>
    %exp3A_119 = math.exp %mul3A_118 : vector<16xf32>
    %add3A_120 = arith.constant 1.000000e+00 : f32
    %add3A_121 = vector.broadcast %add3A_120 : f32 to vector<16xf32>
    %add3A_122 = arith.addf %add3A_121, %exp3A_119 : vector<16xf32>
    %div3A_123 = arith.constant 1.000000e+00 : f32
    %div3A_124 = vector.broadcast %div3A_123 : f32 to vector<16xf32>
    %div3A_125 = arith.divf %div3A_124, %add3A_122 : vector<16xf32>
    %sub3A_126 = arith.constant 1.000000e+00 : f32
    %sub3A_127 = vector.broadcast %sub3A_126 : f32 to vector<16xf32>
    %sub3A_128 = arith.subf %sub3A_127, %min3A_113 : vector<16xf32>
    %mul3A_129 = arith.mulf %sub3A_128, %div3A_125 : vector<16xf32>
    %add3A_130 = arith.addf %min3A_113, %mul3A_129 : vector<16xf32>
    %swap3A_131 = arith.constant 32 : index
    %swap3A_132 = tpu.vector_load %arg13[%swap3A_131] {strides = array<i32>} : memref<512xf32, #tpu.memory_space<vmem>>, vector<16xf32>,
    %swap3A_133 = vector.shape_cast %swap3A_132 : vector<16xf32> to vector<16xf32>
    %swap3A_134 = vector.shape_cast %add3A_130 : vector<16xf32> to vector<16xf32>
    tpu.vector_store %arg13[%swap3A_131], %swap3A_134 {strides = array<i32>} : memref<512xf32, #tpu.memory_space<vmem>>, vector<16xf32>,
    %get3A_135 = arith.constant 48 : index
    %get3A_136 = tpu.vector_load %arg9[%get3A_135] {strides = array<i32>} : memref<512xf32, #tpu.memory_space<vmem>>, vector<16xf32>,
    %get3A_137 = vector.shape_cast %get3A_136 : vector<16xf32> to vector<16xf32>
    %get3A_138 = arith.constant 48 : index
    %get3A_139 = tpu.vector_load %arg10[%get3A_138] {strides = array<i32>} : memref<512xf32, #tpu.memory_space<vmem>>, vector<16xf32>,
    %get3A_140 = vector.shape_cast %get3A_139 : vector<16xf32> to vector<16xf32>
    %max3A_141 = arith.constant 1.000000e-03 : f32
    %max3A_142 = vector.broadcast %max3A_141 : f32 to vector<16xf32>
    %max3A_143 = arith.maximumf %get3A_140, %max3A_142 : vector<16xf32>
    %get3A_144 = arith.constant 48 : index
    %get3A_145 = tpu.vector_load %arg11[%get3A_144] {strides = array<i32>} : memref<512xf32, #tpu.memory_space<vmem>>, vector<16xf32>,
    %get3A_146 = vector.shape_cast %get3A_145 : vector<16xf32> to vector<16xf32>
    %get3A_147 = arith.constant 48 : index
    %get3A_148 = tpu.vector_load %arg12[%get3A_147] {strides = array<i32>} : memref<512xf32, #tpu.memory_space<vmem>>, vector<16xf32>,
    %get3A_149 = vector.shape_cast %get3A_148 : vector<16xf32> to vector<16xf32>
    %jit3A_150 = arith.constant 0.000000e+00 : f32
    %jit3A_151 = arith.constant 1.000000e+00 : f32
    %max3A_152 = vector.broadcast %jit3A_150 : f32 to vector<16xf32>
    %max3A_153 = arith.maximumf %max3A_152, %get3A_149 : vector<16xf32>
    %min3A_154 = vector.broadcast %jit3A_151 : f32 to vector<16xf32>
    %min3A_155 = arith.minimumf %min3A_154, %max3A_153 : vector<16xf32>
    %mul3A_156 = arith.constant -1.702000e+00 : f32
    %mul3A_157 = vector.broadcast %mul3A_156 : f32 to vector<16xf32>
    %mul3A_158 = arith.mulf %mul3A_157, %max3A_143 : vector<16xf32>
    %sub3A_159 = arith.subf %get3A_137, %get3A_146 : vector<16xf32>
    %mul3A_160 = arith.mulf %mul3A_158, %sub3A_159 : vector<16xf32>
    %exp3A_161 = math.exp %mul3A_160 : vector<16xf32>
    %add3A_162 = arith.constant 1.000000e+00 : f32
    %add3A_163 = vector.broadcast %add3A_162 : f32 to vector<16xf32>
    %add3A_164 = arith.addf %add3A_163, %exp3A_161 : vector<16xf32>
    %div3A_165 = arith.constant 1.000000e+00 : f32
    %div3A_166 = vector.broadcast %div3A_165 : f32 to vector<16xf32>
    %div3A_167 = arith.divf %div3A_166, %add3A_164 : vector<16xf32>
    %sub3A_168 = arith.constant 1.000000e+00 : f32
    %sub3A_169 = vector.broadcast %sub3A_168 : f32 to vector<16xf32>
    %sub3A_170 = arith.subf %sub3A_169, %min3A_155 : vector<16xf32>
    %mul3A_171 = arith.mulf %sub3A_170, %div3A_167 : vector<16xf32>
    %add3A_172 = arith.addf %min3A_155, %mul3A_171 : vector<16xf32>
    %swap3A_173 = arith.constant 48 : index
    %swap3A_174 = tpu.vector_load %arg13[%swap3A_173] {strides = array<i32>} : memref<512xf32, #tpu.memory_space<vmem>>, vector<16xf32>,
    %swap3A_175 = vector.shape_cast %swap3A_174 : vector<16xf32> to vector<16xf32>
    %swap3A_176 = vector.shape_cast %add3A_172 : vector<16xf32> to vector<16xf32>
    tpu.vector_store %arg13[%swap3A_173], %swap3A_176 {strides = array<i32>} : memref<512xf32, #tpu.memory_space<vmem>>, vector<16xf32>,
    %get3A_177 = arith.constant 64 : index
    %get3A_178 = tpu.vector_load %arg9[%get3A_177] {strides = array<i32>} : memref<512xf32, #tpu.memory_space<vmem>>, vector<16xf32>,
    %get3A_179 = vector.shape_cast %get3A_178 : vector<16xf32> to vector<16xf32>
    %get3A_180 = arith.constant 64 : index
    %get3A_181 = tpu.vector_load %arg10[%get3A_180] {strides = array<i32>} : memref<512xf32, #tpu.memory_space<vmem>>, vector<16xf32>,
    %get3A_182 = vector.shape_cast %get3A_181 : vector<16xf32> to vector<16xf32>
    %max3A_183 = arith.constant 1.000000e-03 : f32
    %max3A_184 = vector.broadcast %max3A_183 : f32 to vector<16xf32>
    %max3A_185 = arith.maximumf %get3A_182, %max3A_184 : vector<16xf32>
    %get3A_186 = arith.constant 64 : index
    %get3A_187 = tpu.vector_load %arg11[%get3A_186] {strides = array<i32>} : memref<512xf32, #tpu.memory_space<vmem>>, vector<16xf32>,
    %get3A_188 = vector.shape_cast %get3A_187 : vector<16xf32> to vector<16xf32>
    %get3A_189 = arith.constant 64 : index
    %get3A_190 = tpu.vector_load %arg12[%get3A_189] {strides = array<i32>} : memref<512xf32, #tpu.memory_space<vmem>>, vector<16xf32>,
    %get3A_191 = vector.shape_cast %get3A_190 : vector<16xf32> to vector<16xf32>
    %jit3A_192 = arith.constant 0.000000e+00 : f32
    %jit3A_193 = arith.constant 1.000000e+00 : f32
    %max3A_194 = vector.broadcast %jit3A_192 : f32 to vector<16xf32>
    %max3A_195 = arith.maximumf %max3A_194, %get3A_191 : vector<16xf32>
    %min3A_196 = vector.broadcast %jit3A_193 : f32 to vector<16xf32>
    %min3A_197 = arith.minimumf %min3A_196, %max3A_195 : vector<16xf32>
    %mul3A_198 = arith.constant -1.702000e+00 : f32
    %mul3A_199 = vector.broadcast %mul3A_198 : f32 to vector<16xf32>
    %mul3A_200 = arith.mulf %mul3A_199, %max3A_185 : vector<16xf32>
    %sub3A_201 = arith.subf %get3A_179, %get3A_188 : vector<16xf32>
    %mul3A_202 = arith.mulf %mul3A_200, %sub3A_201 : vector<16xf32>
    %exp3A_203 = math.exp %mul3A_202 : vector<16xf32>
    %add3A_204 = arith.constant 1.000000e+00 : f32
    %add3A_205 = vector.broadcast %add3A_204 : f32 to vector<16xf32>
    %add3A_206 = arith.addf %add3A_205, %exp3A_203 : vector<16xf32>
    %div3A_207 = arith.constant 1.000000e+00 : f32
    %div3A_208 = vector.broadcast %div3A_207 : f32 to vector<16xf32>
    %div3A_209 = arith.divf %div3A_208, %add3A_206 : vector<16xf32>
    %sub3A_210 = arith.constant 1.000000e+00 : f32
    %sub3A_211 = vector.broadcast %sub3A_210 : f32 to vector<16xf32>
    %sub3A_212 = arith.subf %sub3A_211, %min3A_197 : vector<16xf32>
    %mul3A_213 = arith.mulf %sub3A_212, %div3A_209 : vector<16xf32>
    %add3A_214 = arith.addf %min3A_197, %mul3A_213 : vector<16xf32>
    %swap3A_215 = arith.constant 64 : index
    %swap3A_216 = tpu.vector_load %arg13[%swap3A_215] {strides = array<i32>} : memref<512xf32, #tpu.memory_space<vmem>>, vector<16xf32>,
    %swap3A_217 = vector.shape_cast %swap3A_216 : vector<16xf32> to vector<16xf32>
    %swap3A_218 = vector.shape_cast %add3A_214 : vector<16xf32> to vector<16xf32>
    tpu.vector_store %arg13[%swap3A_215], %swap3A_218 {strides = array<i32>} : memref<512xf32, #tpu.memory_space<vmem>>, vector<16xf32>,
    %get3A_219 = arith.constant 80 : index
    %get3A_220 = tpu.vector_load %arg9[%get3A_219] {strides = array<i32>} : memref<512xf32, #tpu.memory_space<vmem>>, vector<16xf32>,
    %get3A_221 = vector.shape_cast %get3A_220 : vector<16xf32> to vector<16xf32>
    %get3A_222 = arith.constant 80 : index
    %get3A_223 = tpu.vector_load %arg10[%get3A_222] {strides = array<i32>} : memref<512xf32, #tpu.memory_space<vmem>>, vector<16xf32>,
    %get3A_224 = vector.shape_cast %get3A_223 : vector<16xf32> to vector<16xf32>
    %max3A_225 = arith.constant 1.000000e-03 : f32
    %max3A_226 = vector.broadcast %max3A_225 : f32 to vector<16xf32>
    %max3A_227 = arith.maximumf %get3A_224, %max3A_226 : vector<16xf32>
    %get3A_228 = arith.constant 80 : index
    %get3A_229 = tpu.vector_load %arg11[%get3A_228] {strides = array<i32>} : memref<512xf32, #tpu.memory_space<vmem>>, vector<16xf32>,
    %get3A_230 = vector.shape_cast %get3A_229 : vector<16xf32> to vector<16xf32>
    %get3A_231 = arith.constant 80 : index
    %get3A_232 = tpu.vector_load %arg12[%get3A_231] {strides = array<i32>} : memref<512xf32, #tpu.memory_space<vmem>>, vector<16xf32>,
    %get3A_233 = vector.shape_cast %get3A_232 : vector<16xf32> to vector<16xf32>
    %jit3A_234 = arith.constant 0.000000e+00 : f32
    %jit3A_235 = arith.constant 1.000000e+00 : f32
    %max3A_236 = vector.broadcast %jit3A_234 : f32 to vector<16xf32>
    %max3A_237 = arith.maximumf %max3A_236, %get3A_233 : vector<16xf32>
    %min3A_238 = vector.broadcast %jit3A_235 : f32 to vector<16xf32>
    %min3A_239 = arith.minimumf %min3A_238, %max3A_237 : vector<16xf32>
    %mul3A_240 = arith.constant -1.702000e+00 : f32
    %mul3A_241 = vector.broadcast %mul3A_240 : f32 to vector<16xf32>
    %mul3A_242 = arith.mulf %mul3A_241, %max3A_227 : vector<16xf32>
    %sub3A_243 = arith.subf %get3A_221, %get3A_230 : vector<16xf32>
    %mul3A_244 = arith.mulf %mul3A_242, %sub3A_243 : vector<16xf32>
    %exp3A_245 = math.exp %mul3A_244 : vector<16xf32>
    %add3A_246 = arith.constant 1.000000e+00 : f32
    %add3A_247 = vector.broadcast %add3A_246 : f32 to vector<16xf32>
    %add3A_248 = arith.addf %add3A_247, %exp3A_245 : vector<16xf32>
    %div3A_249 = arith.constant 1.000000e+00 : f32
    %div3A_250 = vector.broadcast %div3A_249 : f32 to vector<16xf32>
    %div3A_251 = arith.divf %div3A_250, %add3A_248 : vector<16xf32>
    %sub3A_252 = arith.constant 1.000000e+00 : f32
    %sub3A_253 = vector.broadcast %sub3A_252 : f32 to vector<16xf32>
    %sub3A_254 = arith.subf %sub3A_253, %min3A_239 : vector<16xf32>
    %mul3A_255 = arith.mulf %sub3A_254, %div3A_251 : vector<16xf32>
    %add3A_256 = arith.addf %min3A_239, %mul3A_255 : vector<16xf32>
    %swap3A_257 = arith.constant 80 : index
    %swap3A_258 = tpu.vector_load %arg13[%swap3A_257] {strides = array<i32>} : memref<512xf32, #tpu.memory_space<vmem>>, vector<16xf32>,
    %swap3A_259 = vector.shape_cast %swap3A_258 : vector<16xf32> to vector<16xf32>
    %swap3A_260 = vector.shape_cast %add3A_256 : vector<16xf32> to vector<16xf32>
    tpu.vector_store %arg13[%swap3A_257], %swap3A_260 {strides = array<i32>} : memref<512xf32, #tpu.memory_space<vmem>>, vector<16xf32>,
    %get3A_261 = arith.constant 96 : index
    %get3A_262 = tpu.vector_load %arg9[%get3A_261] {strides = array<i32>} : memref<512xf32, #tpu.memory_space<vmem>>, vector<16xf32>,
    %get3A_263 = vector.shape_cast %get3A_262 : vector<16xf32> to vector<16xf32>
    %get3A_264 = arith.constant 96 : index
    %get3A_265 = tpu.vector_load %arg10[%get3A_264] {strides = array<i32>} : memref<512xf32, #tpu.memory_space<vmem>>, vector<16xf32>,
    %get3A_266 = vector.shape_cast %get3A_265 : vector<16xf32> to vector<16xf32>
    %max3A_267 = arith.constant 1.000000e-03 : f32
    %max3A_268 = vector.broadcast %max3A_267 : f32 to vector<16xf32>
    %max3A_269 = arith.maximumf %get3A_266, %max3A_268 : vector<16xf32>
    %get3A_270 = arith.constant 96 : index
    %get3A_271 = tpu.vector_load %arg11[%get3A_270] {strides = array<i32>} : memref<512xf32, #tpu.memory_space<vmem>>, vector<16xf32>,
    %get3A_272 = vector.shape_cast %get3A_271 : vector<16xf32> to vector<16xf32>
    %get3A_273 = arith.constant 96 : index
    %get3A_274 = tpu.vector_load %arg12[%get3A_273] {strides = array<i32>} : memref<512xf32, #tpu.memory_space<vmem>>, vector<16xf32>,
    %get3A_275 = vector.shape_cast %get3A_274 : vector<16xf32> to vector<16xf32>
    %jit3A_276 = arith.constant 0.000000e+00 : f32
    %jit3A_277 = arith.constant 1.000000e+00 : f32
    %max3A_278 = vector.broadcast %jit3A_276 : f32 to vector<16xf32>
    %max3A_279 = arith.maximumf %max3A_278, %get3A_275 : vector<16xf32>
    %min3A_280 = vector.broadcast %jit3A_277 : f32 to vector<16xf32>
    %min3A_281 = arith.minimumf %min3A_280, %max3A_279 : vector<16xf32>
    %mul3A_282 = arith.constant -1.702000e+00 : f32
    %mul3A_283 = vector.broadcast %mul3A_282 : f32 to vector<16xf32>
    %mul3A_284 = arith.mulf %mul3A_283, %max3A_269 : vector<16xf32>
    %sub3A_285 = arith.subf %get3A_263, %get3A_272 : vector<16xf32>
    %mul3A_286 = arith.mulf %mul3A_284, %sub3A_285 : vector<16xf32>
    %exp3A_287 = math.exp %mul3A_286 : vector<16xf32>
    %add3A_288 = arith.constant 1.000000e+00 : f32
    %add3A_289 = vector.broadcast %add3A_288 : f32 to vector<16xf32>
    %add3A_290 = arith.addf %add3A_289, %exp3A_287 : vector<16xf32>
    %div3A_291 = arith.constant 1.000000e+00 : f32
    %div3A_292 = vector.broadcast %div3A_291 : f32 to vector<16xf32>
    %div3A_293 = arith.divf %div3A_292, %add3A_290 : vector<16xf32>
    %sub3A_294 = arith.constant 1.000000e+00 : f32
    %sub3A_295 = vector.broadcast %sub3A_294 : f32 to vector<16xf32>
    %sub3A_296 = arith.subf %sub3A_295, %min3A_281 : vector<16xf32>
    %mul3A_297 = arith.mulf %sub3A_296, %div3A_293 : vector<16xf32>
    %add3A_298 = arith.addf %min3A_281, %mul3A_297 : vector<16xf32>
    %swap3A_299 = arith.constant 96 : index
    %swap3A_300 = tpu.vector_load %arg13[%swap3A_299] {strides = array<i32>} : memref<512xf32, #tpu.memory_space<vmem>>, vector<16xf32>,
    %swap3A_301 = vector.shape_cast %swap3A_300 : vector<16xf32> to vector<16xf32>
    %swap3A_302 = vector.shape_cast %add3A_298 : vector<16xf32> to vector<16xf32>
    tpu.vector_store %arg13[%swap3A_299], %swap3A_302 {strides = array<i32>} : memref<512xf32, #tpu.memory_space<vmem>>, vector<16xf32>,
    %get3A_303 = arith.constant 112 : index
    %get3A_304 = tpu.vector_load %arg9[%get3A_303] {strides = array<i32>} : memref<512xf32, #tpu.memory_space<vmem>>, vector<16xf32>,
    %get3A_305 = vector.shape_cast %get3A_304 : vector<16xf32> to vector<16xf32>
    %get3A_306 = arith.constant 112 : index
    %get3A_307 = tpu.vector_load %arg10[%get3A_306] {strides = array<i32>} : memref<512xf32, #tpu.memory_space<vmem>>, vector<16xf32>,
    %get3A_308 = vector.shape_cast %get3A_307 : vector<16xf32> to vector<16xf32>
    %max3A_309 = arith.constant 1.000000e-03 : f32
    %max3A_310 = vector.broadcast %max3A_309 : f32 to vector<16xf32>
    %max3A_311 = arith.maximumf %get3A_308, %max3A_310 : vector<16xf32>
    %get3A_312 = arith.constant 112 : index
    %get3A_313 = tpu.vector_load %arg11[%get3A_312] {strides = array<i32>} : memref<512xf32, #tpu.memory_space<vmem>>, vector<16xf32>,
    %get3A_314 = vector.shape_cast %get3A_313 : vector<16xf32> to vector<16xf32>
    %get3A_315 = arith.constant 112 : index
    %get3A_316 = tpu.vector_load %arg12[%get3A_315] {strides = array<i32>} : memref<512xf32, #tpu.memory_space<vmem>>, vector<16xf32>,
    %get3A_317 = vector.shape_cast %get3A_316 : vector<16xf32> to vector<16xf32>
    %jit3A_318 = arith.constant 0.000000e+00 : f32
    %jit3A_319 = arith.constant 1.000000e+00 : f32
    %max3A_320 = vector.broadcast %jit3A_318 : f32 to vector<16xf32>
    %max3A_321 = arith.maximumf %max3A_320, %get3A_317 : vector<16xf32>
    %min3A_322 = vector.broadcast %jit3A_319 : f32 to vector<16xf32>
    %min3A_323 = arith.minimumf %min3A_322, %max3A_321 : vector<16xf32>
    %mul3A_324 = arith.constant -1.702000e+00 : f32
    %mul3A_325 = vector.broadcast %mul3A_324 : f32 to vector<16xf32>
    %mul3A_326 = arith.mulf %mul3A_325, %max3A_311 : vector<16xf32>
    %sub3A_327 = arith.subf %get3A_305, %get3A_314 : vector<16xf32>
    %mul3A_328 = arith.mulf %mul3A_326, %sub3A_327 : vector<16xf32>
    %exp3A_329 = math.exp %mul3A_328 : vector<16xf32>
    %add3A_330 = arith.constant 1.000000e+00 : f32
    %add3A_331 = vector.broadcast %add3A_330 : f32 to vector<16xf32>
    %add3A_332 = arith.addf %add3A_331, %exp3A_329 : vector<16xf32>
    %div3A_333 = arith.constant 1.000000e+00 : f32
    %div3A_334 = vector.broadcast %div3A_333 : f32 to vector<16xf32>
    %div3A_335 = arith.divf %div3A_334, %add3A_332 : vector<16xf32>
    %sub3A_336 = arith.constant 1.000000e+00 : f32
    %sub3A_337 = vector.broadcast %sub3A_336 : f32 to vector<16xf32>
    %sub3A_338 = arith.subf %sub3A_337, %min3A_323 : vector<16xf32>
    %mul3A_339 = arith.mulf %sub3A_338, %div3A_335 : vector<16xf32>
    %add3A_340 = arith.addf %min3A_323, %mul3A_339 : vector<16xf32>
    %swap3A_341 = arith.constant 112 : index
    %swap3A_342 = tpu.vector_load %arg13[%swap3A_341] {strides = array<i32>} : memref<512xf32, #tpu.memory_space<vmem>>, vector<16xf32>,
    %swap3A_343 = vector.shape_cast %swap3A_342 : vector<16xf32> to vector<16xf32>
    %swap3A_344 = vector.shape_cast %add3A_340 : vector<16xf32> to vector<16xf32>
    tpu.vector_store %arg13[%swap3A_341], %swap3A_344 {strides = array<i32>} : memref<512xf32, #tpu.memory_space<vmem>>, vector<16xf32>,
    %get3A_345 = arith.constant 128 : index
    %get3A_346 = tpu.vector_load %arg9[%get3A_345] {strides = array<i32>} : memref<512xf32, #tpu.memory_space<vmem>>, vector<16xf32>,
    %get3A_347 = vector.shape_cast %get3A_346 : vector<16xf32> to vector<16xf32>
    %get3A_348 = arith.constant 128 : index
    %get3A_349 = tpu.vector_load %arg10[%get3A_348] {strides = array<i32>} : memref<512xf32, #tpu.memory_space<vmem>>, vector<16xf32>,
    %get3A_350 = vector.shape_cast %get3A_349 : vector<16xf32> to vector<16xf32>
    %max3A_351 = arith.constant 1.000000e-03 : f32
    %max3A_352 = vector.broadcast %max3A_351 : f32 to vector<16xf32>
    %max3A_353 = arith.maximumf %get3A_350, %max3A_352 : vector<16xf32>
    %get3A_354 = arith.constant 128 : index
    %get3A_355 = tpu.vector_load %arg11[%get3A_354] {strides = array<i32>} : memref<512xf32, #tpu.memory_space<vmem>>, vector<16xf32>,
    %get3A_356 = vector.shape_cast %get3A_355 : vector<16xf32> to vector<16xf32>
    %get3A_357 = arith.constant 128 : index
    %get3A_358 = tpu.vector_load %arg12[%get3A_357] {strides = array<i32>} : memref<512xf32, #tpu.memory_space<vmem>>, vector<16xf32>,
    %get3A_359 = vector.shape_cast %get3A_358 : vector<16xf32> to vector<16xf32>
    %jit3A_360 = arith.constant 0.000000e+00 : f32
    %jit3A_361 = arith.constant 1.000000e+00 : f32
    %max3A_362 = vector.broadcast %jit3A_360 : f32 to vector<16xf32>
    %max3A_363 = arith.maximumf %max3A_362, %get3A_359 : vector<16xf32>
    %min3A_364 = vector.broadcast %jit3A_361 : f32 to vector<16xf32>
    %min3A_365 = arith.minimumf %min3A_364, %max3A_363 : vector<16xf32>
    %mul3A_366 = arith.constant -1.702000e+00 : f32
    %mul3A_367 = vector.broadcast %mul3A_366 : f32 to vector<16xf32>
    %mul3A_368 = arith.mulf %mul3A_367, %max3A_353 : vector<16xf32>
    %sub3A_369 = arith.subf %get3A_347, %get3A_356 : vector<16xf32>
    %mul3A_370 = arith.mulf %mul3A_368, %sub3A_369 : vector<16xf32>
    %exp3A_371 = math.exp %mul3A_370 : vector<16xf32>
    %add3A_372 = arith.constant 1.000000e+00 : f32
    %add3A_373 = vector.broadcast %add3A_372 : f32 to vector<16xf32>
    %add3A_374 = arith.addf %add3A_373, %exp3A_371 : vector<16xf32>
    %div3A_375 = arith.constant 1.000000e+00 : f32
    %div3A_376 = vector.broadcast %div3A_375 : f32 to vector<16xf32>
    %div3A_377 = arith.divf %div3A_376, %add3A_374 : vector<16xf32>
    %sub3A_378 = arith.constant 1.000000e+00 : f32
    %sub3A_379 = vector.broadcast %sub3A_378 : f32 to vector<16xf32>
    %sub3A_380 = arith.subf %sub3A_379, %min3A_365 : vector<16xf32>
    %mul3A_381 = arith.mulf %sub3A_380, %div3A_377 : vector<16xf32>
    %add3A_382 = arith.addf %min3A_365, %mul3A_381 : vector<16xf32>
    %swap3A_383 = arith.constant 128 : index
    %swap3A_384 = tpu.vector_load %arg13[%swap3A_383] {strides = array<i32>} : memref<512xf32, #tpu.memory_space<vmem>>, vector<16xf32>,
    %swap3A_385 = vector.shape_cast %swap3A_384 : vector<16xf32> to vector<16xf32>
    %swap3A_386 = vector.shape_cast %add3A_382 : vector<16xf32> to vector<16xf32>
    tpu.vector_store %arg13[%swap3A_383], %swap3A_386 {strides = array<i32>} : memref<512xf32, #tpu.memory_space<vmem>>, vector<16xf32>,
    %get3A_387 = arith.constant 144 : index
    %get3A_388 = tpu.vector_load %arg9[%get3A_387] {strides = array<i32>} : memref<512xf32, #tpu.memory_space<vmem>>, vector<16xf32>,
    %get3A_389 = vector.shape_cast %get3A_388 : vector<16xf32> to vector<16xf32>
    %get3A_390 = arith.constant 144 : index
    %get3A_391 = tpu.vector_load %arg10[%get3A_390] {strides = array<i32>} : memref<512xf32, #tpu.memory_space<vmem>>, vector<16xf32>,
    %get3A_392 = vector.shape_cast %get3A_391 : vector<16xf32> to vector<16xf32>
    %max3A_393 = arith.constant 1.000000e-03 : f32
    %max3A_394 = vector.broadcast %max3A_393 : f32 to vector<16xf32>
    %max3A_395 = arith.maximumf %get3A_392, %max3A_394 : vector<16xf32>
    %get3A_396 = arith.constant 144 : index
    %get3A_397 = tpu.vector_load %arg11[%get3A_396] {strides = array<i32>} : memref<512xf32, #tpu.memory_space<vmem>>, vector<16xf32>,
    %get3A_398 = vector.shape_cast %get3A_397 : vector<16xf32> to vector<16xf32>
    %get3A_399 = arith.constant 144 : index
    %get3A_400 = tpu.vector_load %arg12[%get3A_399] {strides = array<i32>} : memref<512xf32, #tpu.memory_space<vmem>>, vector<16xf32>,
    %get3A_401 = vector.shape_cast %get3A_400 : vector<16xf32> to vector<16xf32>
    %jit3A_402 = arith.constant 0.000000e+00 : f32
    %jit3A_403 = arith.constant 1.000000e+00 : f32
    %max3A_404 = vector.broadcast %jit3A_402 : f32 to vector<16xf32>
    %max3A_405 = arith.maximumf %max3A_404, %get3A_401 : vector<16xf32>
    %min3A_406 = vector.broadcast %jit3A_403 : f32 to vector<16xf32>
    %min3A_407 = arith.minimumf %min3A_406, %max3A_405 : vector<16xf32>
    %mul3A_408 = arith.constant -1.702000e+00 : f32
    %mul3A_409 = vector.broadcast %mul3A_408 : f32 to vector<16xf32>
    %mul3A_410 = arith.mulf %mul3A_409, %max3A_395 : vector<16xf32>
    %sub3A_411 = arith.subf %get3A_389, %get3A_398 : vector<16xf32>
    %mul3A_412 = arith.mulf %mul3A_410, %sub3A_411 : vector<16xf32>
    %exp3A_413 = math.exp %mul3A_412 : vector<16xf32>
    %add3A_414 = arith.constant 1.000000e+00 : f32
    %add3A_415 = vector.broadcast %add3A_414 : f32 to vector<16xf32>
    %add3A_416 = arith.addf %add3A_415, %exp3A_413 : vector<16xf32>
    %div3A_417 = arith.constant 1.000000e+00 : f32
    %div3A_418 = vector.broadcast %div3A_417 : f32 to vector<16xf32>
    %div3A_419 = arith.divf %div3A_418, %add3A_416 : vector<16xf32>
    %sub3A_420 = arith.constant 1.000000e+00 : f32
    %sub3A_421 = vector.broadcast %sub3A_420 : f32 to vector<16xf32>
    %sub3A_422 = arith.subf %sub3A_421, %min3A_407 : vector<16xf32>
    %mul3A_423 = arith.mulf %sub3A_422, %div3A_419 : vector<16xf32>
    %add3A_424 = arith.addf %min3A_407, %mul3A_423 : vector<16xf32>
    %swap3A_425 = arith.constant 144 : index
    %swap3A_426 = tpu.vector_load %arg13[%swap3A_425] {strides = array<i32>} : memref<512xf32, #tpu.memory_space<vmem>>, vector<16xf32>,
    %swap3A_427 = vector.shape_cast %swap3A_426 : vector<16xf32> to vector<16xf32>
    %swap3A_428 = vector.shape_cast %add3A_424 : vector<16xf32> to vector<16xf32>
    tpu.vector_store %arg13[%swap3A_425], %swap3A_428 {strides = array<i32>} : memref<512xf32, #tpu.memory_space<vmem>>, vector<16xf32>,
    %get3A_429 = arith.constant 160 : index
    %get3A_430 = tpu.vector_load %arg9[%get3A_429] {strides = array<i32>} : memref<512xf32, #tpu.memory_space<vmem>>, vector<16xf32>,
    %get3A_431 = vector.shape_cast %get3A_430 : vector<16xf32> to vector<16xf32>
    %get3A_432 = arith.constant 160 : index
    %get3A_433 = tpu.vector_load %arg10[%get3A_432] {strides = array<i32>} : memref<512xf32, #tpu.memory_space<vmem>>, vector<16xf32>,
    %get3A_434 = vector.shape_cast %get3A_433 : vector<16xf32> to vector<16xf32>
    %max3A_435 = arith.constant 1.000000e-03 : f32
    %max3A_436 = vector.broadcast %max3A_435 : f32 to vector<16xf32>
    %max3A_437 = arith.maximumf %get3A_434, %max3A_436 : vector<16xf32>
    %get3A_438 = arith.constant 160 : index
    %get3A_439 = tpu.vector_load %arg11[%get3A_438] {strides = array<i32>} : memref<512xf32, #tpu.memory_space<vmem>>, vector<16xf32>,
    %get3A_440 = vector.shape_cast %get3A_439 : vector<16xf32> to vector<16xf32>
    %get3A_441 = arith.constant 160 : index
    %get3A_442 = tpu.vector_load %arg12[%get3A_441] {strides = array<i32>} : memref<512xf32, #tpu.memory_space<vmem>>, vector<16xf32>,
    %get3A_443 = vector.shape_cast %get3A_442 : vector<16xf32> to vector<16xf32>
    %jit3A_444 = arith.constant 0.000000e+00 : f32
    %jit3A_445 = arith.constant 1.000000e+00 : f32
    %max3A_446 = vector.broadcast %jit3A_444 : f32 to vector<16xf32>
    %max3A_447 = arith.maximumf %max3A_446, %get3A_443 : vector<16xf32>
    %min3A_448 = vector.broadcast %jit3A_445 : f32 to vector<16xf32>
    %min3A_449 = arith.minimumf %min3A_448, %max3A_447 : vector<16xf32>
    %mul3A_450 = arith.constant -1.702000e+00 : f32
    %mul3A_451 = vector.broadcast %mul3A_450 : f32 to vector<16xf32>
    %mul3A_452 = arith.mulf %mul3A_451, %max3A_437 : vector<16xf32>
    %sub3A_453 = arith.subf %get3A_431, %get3A_440 : vector<16xf32>
    %mul3A_454 = arith.mulf %mul3A_452, %sub3A_453 : vector<16xf32>
    %exp3A_455 = math.exp %mul3A_454 : vector<16xf32>
    %add3A_456 = arith.constant 1.000000e+00 : f32
    %add3A_457 = vector.broadcast %add3A_456 : f32 to vector<16xf32>
    %add3A_458 = arith.addf %add3A_457, %exp3A_455 : vector<16xf32>
    %div3A_459 = arith.constant 1.000000e+00 : f32
    %div3A_460 = vector.broadcast %div3A_459 : f32 to vector<16xf32>
    %div3A_461 = arith.divf %div3A_460, %add3A_458 : vector<16xf32>
    %sub3A_462 = arith.constant 1.000000e+00 : f32
    %sub3A_463 = vector.broadcast %sub3A_462 : f32 to vector<16xf32>
    %sub3A_464 = arith.subf %sub3A_463, %min3A_449 : vector<16xf32>
    %mul3A_465 = arith.mulf %sub3A_464, %div3A_461 : vector<16xf32>
    %add3A_466 = arith.addf %min3A_449, %mul3A_465 : vector<16xf32>
    %swap3A_467 = arith.constant 160 : index
    %swap3A_468 = tpu.vector_load %arg13[%swap3A_467] {strides = array<i32>} : memref<512xf32, #tpu.memory_space<vmem>>, vector<16xf32>,
    %swap3A_469 = vector.shape_cast %swap3A_468 : vector<16xf32> to vector<16xf32>
    %swap3A_470 = vector.shape_cast %add3A_466 : vector<16xf32> to vector<16xf32>
    tpu.vector_store %arg13[%swap3A_467], %swap3A_470 {strides = array<i32>} : memref<512xf32, #tpu.memory_space<vmem>>, vector<16xf32>,
    %get3A_471 = arith.constant 176 : index
    %get3A_472 = tpu.vector_load %arg9[%get3A_471] {strides = array<i32>} : memref<512xf32, #tpu.memory_space<vmem>>, vector<16xf32>,
    %get3A_473 = vector.shape_cast %get3A_472 : vector<16xf32> to vector<16xf32>
    %get3A_474 = arith.constant 176 : index
    %get3A_475 = tpu.vector_load %arg10[%get3A_474] {strides = array<i32>} : memref<512xf32, #tpu.memory_space<vmem>>, vector<16xf32>,
    %get3A_476 = vector.shape_cast %get3A_475 : vector<16xf32> to vector<16xf32>
    %max3A_477 = arith.constant 1.000000e-03 : f32
    %max3A_478 = vector.broadcast %max3A_477 : f32 to vector<16xf32>
    %max3A_479 = arith.maximumf %get3A_476, %max3A_478 : vector<16xf32>
    %get3A_480 = arith.constant 176 : index
    %get3A_481 = tpu.vector_load %arg11[%get3A_480] {strides = array<i32>} : memref<512xf32, #tpu.memory_space<vmem>>, vector<16xf32>,
    %get3A_482 = vector.shape_cast %get3A_481 : vector<16xf32> to vector<16xf32>
    %get3A_483 = arith.constant 176 : index
    %get3A_484 = tpu.vector_load %arg12[%get3A_483] {strides = array<i32>} : memref<512xf32, #tpu.memory_space<vmem>>, vector<16xf32>,
    %get3A_485 = vector.shape_cast %get3A_484 : vector<16xf32> to vector<16xf32>
    %jit3A_486 = arith.constant 0.000000e+00 : f32
    %jit3A_487 = arith.constant 1.000000e+00 : f32
    %max3A_488 = vector.broadcast %jit3A_486 : f32 to vector<16xf32>
    %max3A_489 = arith.maximumf %max3A_488, %get3A_485 : vector<16xf32>
    %min3A_490 = vector.broadcast %jit3A_487 : f32 to vector<16xf32>
    %min3A_491 = arith.minimumf %min3A_490, %max3A_489 : vector<16xf32>
    %mul3A_492 = arith.constant -1.702000e+00 : f32
    %mul3A_493 = vector.broadcast %mul3A_492 : f32 to vector<16xf32>
    %mul3A_494 = arith.mulf %mul3A_493, %max3A_479 : vector<16xf32>
    %sub3A_495 = arith.subf %get3A_473, %get3A_482 : vector<16xf32>
    %mul3A_496 = arith.mulf %mul3A_494, %sub3A_495 : vector<16xf32>
    %exp3A_497 = math.exp %mul3A_496 : vector<16xf32>
    %add3A_498 = arith.constant 1.000000e+00 : f32
    %add3A_499 = vector.broadcast %add3A_498 : f32 to vector<16xf32>
    %add3A_500 = arith.addf %add3A_499, %exp3A_497 : vector<16xf32>
    %div3A_501 = arith.constant 1.000000e+00 : f32
    %div3A_502 = vector.broadcast %div3A_501 : f32 to vector<16xf32>
    %div3A_503 = arith.divf %div3A_502, %add3A_500 : vector<16xf32>
    %sub3A_504 = arith.constant 1.000000e+00 : f32
    %sub3A_505 = vector.broadcast %sub3A_504 : f32 to vector<16xf32>
    %sub3A_506 = arith.subf %sub3A_505, %min3A_491 : vector<16xf32>
    %mul3A_507 = arith.mulf %sub3A_506, %div3A_503 : vector<16xf32>
    %add3A_508 = arith.addf %min3A_491, %mul3A_507 : vector<16xf32>
    %swap3A_509 = arith.constant 176 : index
    %swap3A_510 = tpu.vector_load %arg13[%swap3A_509] {strides = array<i32>} : memref<512xf32, #tpu.memory_space<vmem>>, vector<16xf32>,
    %swap3A_511 = vector.shape_cast %swap3A_510 : vector<16xf32> to vector<16xf32>
    %swap3A_512 = vector.shape_cast %add3A_508 : vector<16xf32> to vector<16xf32>
    tpu.vector_store %arg13[%swap3A_509], %swap3A_512 {strides = array<i32>} : memref<512xf32, #tpu.memory_space<vmem>>, vector<16xf32>,
    %get3A_513 = arith.constant 192 : index
    %get3A_514 = tpu.vector_load %arg9[%get3A_513] {strides = array<i32>} : memref<512xf32, #tpu.memory_space<vmem>>, vector<16xf32>,
    %get3A_515 = vector.shape_cast %get3A_514 : vector<16xf32> to vector<16xf32>
    %get3A_516 = arith.constant 192 : index
    %get3A_517 = tpu.vector_load %arg10[%get3A_516] {strides = array<i32>} : memref<512xf32, #tpu.memory_space<vmem>>, vector<16xf32>,
    %get3A_518 = vector.shape_cast %get3A_517 : vector<16xf32> to vector<16xf32>
    %max3A_519 = arith.constant 1.000000e-03 : f32
    %max3A_520 = vector.broadcast %max3A_519 : f32 to vector<16xf32>
    %max3A_521 = arith.maximumf %get3A_518, %max3A_520 : vector<16xf32>
    %get3A_522 = arith.constant 192 : index
    %get3A_523 = tpu.vector_load %arg11[%get3A_522] {strides = array<i32>} : memref<512xf32, #tpu.memory_space<vmem>>, vector<16xf32>,
    %get3A_524 = vector.shape_cast %get3A_523 : vector<16xf32> to vector<16xf32>
    %get3A_525 = arith.constant 192 : index
    %get3A_526 = tpu.vector_load %arg12[%get3A_525] {strides = array<i32>} : memref<512xf32, #tpu.memory_space<vmem>>, vector<16xf32>,
    %get3A_527 = vector.shape_cast %get3A_526 : vector<16xf32> to vector<16xf32>
    %jit3A_528 = arith.constant 0.000000e+00 : f32
    %jit3A_529 = arith.constant 1.000000e+00 : f32
    %max3A_530 = vector.broadcast %jit3A_528 : f32 to vector<16xf32>
    %max3A_531 = arith.maximumf %max3A_530, %get3A_527 : vector<16xf32>
    %min3A_532 = vector.broadcast %jit3A_529 : f32 to vector<16xf32>
    %min3A_533 = arith.minimumf %min3A_532, %max3A_531 : vector<16xf32>
    %mul3A_534 = arith.constant -1.702000e+00 : f32
    %mul3A_535 = vector.broadcast %mul3A_534 : f32 to vector<16xf32>
    %mul3A_536 = arith.mulf %mul3A_535, %max3A_521 : vector<16xf32>
    %sub3A_537 = arith.subf %get3A_515, %get3A_524 : vector<16xf32>
    %mul3A_538 = arith.mulf %mul3A_536, %sub3A_537 : vector<16xf32>
    %exp3A_539 = math.exp %mul3A_538 : vector<16xf32>
    %add3A_540 = arith.constant 1.000000e+00 : f32
    %add3A_541 = vector.broadcast %add3A_540 : f32 to vector<16xf32>
    %add3A_542 = arith.addf %add3A_541, %exp3A_539 : vector<16xf32>
    %div3A_543 = arith.constant 1.000000e+00 : f32
    %div3A_544 = vector.broadcast %div3A_543 : f32 to vector<16xf32>
    %div3A_545 = arith.divf %div3A_544, %add3A_542 : vector<16xf32>
    %sub3A_546 = arith.constant 1.000000e+00 : f32
    %sub3A_547 = vector.broadcast %sub3A_546 : f32 to vector<16xf32>
    %sub3A_548 = arith.subf %sub3A_547, %min3A_533 : vector<16xf32>
    %mul3A_549 = arith.mulf %sub3A_548, %div3A_545 : vector<16xf32>
    %add3A_550 = arith.addf %min3A_533, %mul3A_549 : vector<16xf32>
    %swap3A_551 = arith.constant 192 : index
    %swap3A_552 = tpu.vector_load %arg13[%swap3A_551] {strides = array<i32>} : memref<512xf32, #tpu.memory_space<vmem>>, vector<16xf32>,
    %swap3A_553 = vector.shape_cast %swap3A_552 : vector<16xf32> to vector<16xf32>
    %swap3A_554 = vector.shape_cast %add3A_550 : vector<16xf32> to vector<16xf32>
    tpu.vector_store %arg13[%swap3A_551], %swap3A_554 {strides = array<i32>} : memref<512xf32, #tpu.memory_space<vmem>>, vector<16xf32>,
    %get3A_555 = arith.constant 208 : index
    %get3A_556 = tpu.vector_load %arg9[%get3A_555] {strides = array<i32>} : memref<512xf32, #tpu.memory_space<vmem>>, vector<16xf32>,
    %get3A_557 = vector.shape_cast %get3A_556 : vector<16xf32> to vector<16xf32>
    %get3A_558 = arith.constant 208 : index
    %get3A_559 = tpu.vector_load %arg10[%get3A_558] {strides = array<i32>} : memref<512xf32, #tpu.memory_space<vmem>>, vector<16xf32>,
    %get3A_560 = vector.shape_cast %get3A_559 : vector<16xf32> to vector<16xf32>
    %max3A_561 = arith.constant 1.000000e-03 : f32
    %max3A_562 = vector.broadcast %max3A_561 : f32 to vector<16xf32>
    %max3A_563 = arith.maximumf %get3A_560, %max3A_562 : vector<16xf32>
    %get3A_564 = arith.constant 208 : index
    %get3A_565 = tpu.vector_load %arg11[%get3A_564] {strides = array<i32>} : memref<512xf32, #tpu.memory_space<vmem>>, vector<16xf32>,
    %get3A_566 = vector.shape_cast %get3A_565 : vector<16xf32> to vector<16xf32>
    %get3A_567 = arith.constant 208 : index
    %get3A_568 = tpu.vector_load %arg12[%get3A_567] {strides = array<i32>} : memref<512xf32, #tpu.memory_space<vmem>>, vector<16xf32>,
    %get3A_569 = vector.shape_cast %get3A_568 : vector<16xf32> to vector<16xf32>
    %jit3A_570 = arith.constant 0.000000e+00 : f32
    %jit3A_571 = arith.constant 1.000000e+00 : f32
    %max3A_572 = vector.broadcast %jit3A_570 : f32 to vector<16xf32>
    %max3A_573 = arith.maximumf %max3A_572, %get3A_569 : vector<16xf32>
    %min3A_574 = vector.broadcast %jit3A_571 : f32 to vector<16xf32>
    %min3A_575 = arith.minimumf %min3A_574, %max3A_573 : vector<16xf32>
    %mul3A_576 = arith.constant -1.702000e+00 : f32
    %mul3A_577 = vector.broadcast %mul3A_576 : f32 to vector<16xf32>
    %mul3A_578 = arith.mulf %mul3A_577, %max3A_563 : vector<16xf32>
    %sub3A_579 = arith.subf %get3A_557, %get3A_566 : vector<16xf32>
    %mul3A_580 = arith.mulf %mul3A_578, %sub3A_579 : vector<16xf32>
    %exp3A_581 = math.exp %mul3A_580 : vector<16xf32>
    %add3A_582 = arith.constant 1.000000e+00 : f32
    %add3A_583 = vector.broadcast %add3A_582 : f32 to vector<16xf32>
    %add3A_584 = arith.addf %add3A_583, %exp3A_581 : vector<16xf32>
    %div3A_585 = arith.constant 1.000000e+00 : f32
    %div3A_586 = vector.broadcast %div3A_585 : f32 to vector<16xf32>
    %div3A_587 = arith.divf %div3A_586, %add3A_584 : vector<16xf32>
    %sub3A_588 = arith.constant 1.000000e+00 : f32
    %sub3A_589 = vector.broadcast %sub3A_588 : f32 to vector<16xf32>
    %sub3A_590 = arith.subf %sub3A_589, %min3A_575 : vector<16xf32>
    %mul3A_591 = arith.mulf %sub3A_590, %div3A_587 : vector<16xf32>
    %add3A_592 = arith.addf %min3A_575, %mul3A_591 : vector<16xf32>
    %swap3A_593 = arith.constant 208 : index
    %swap3A_594 = tpu.vector_load %arg13[%swap3A_593] {strides = array<i32>} : memref<512xf32, #tpu.memory_space<vmem>>, vector<16xf32>,
    %swap3A_595 = vector.shape_cast %swap3A_594 : vector<16xf32> to vector<16xf32>
    %swap3A_596 = vector.shape_cast %add3A_592 : vector<16xf32> to vector<16xf32>
    tpu.vector_store %arg13[%swap3A_593], %swap3A_596 {strides = array<i32>} : memref<512xf32, #tpu.memory_space<vmem>>, vector<16xf32>,
    %get3A_597 = arith.constant 224 : index
    %get3A_598 = tpu.vector_load %arg9[%get3A_597] {strides = array<i32>} : memref<512xf32, #tpu.memory_space<vmem>>, vector<16xf32>,
    %get3A_599 = vector.shape_cast %get3A_598 : vector<16xf32> to vector<16xf32>
    %get3A_600 = arith.constant 224 : index
    %get3A_601 = tpu.vector_load %arg10[%get3A_600] {strides = array<i32>} : memref<512xf32, #tpu.memory_space<vmem>>, vector<16xf32>,
    %get3A_602 = vector.shape_cast %get3A_601 : vector<16xf32> to vector<16xf32>
    %max3A_603 = arith.constant 1.000000e-03 : f32
    %max3A_604 = vector.broadcast %max3A_603 : f32 to vector<16xf32>
    %max3A_605 = arith.maximumf %get3A_602, %max3A_604 : vector<16xf32>
    %get3A_606 = arith.constant 224 : index
    %get3A_607 = tpu.vector_load %arg11[%get3A_606] {strides = array<i32>} : memref<512xf32, #tpu.memory_space<vmem>>, vector<16xf32>,
    %get3A_608 = vector.shape_cast %get3A_607 : vector<16xf32> to vector<16xf32>
    %get3A_609 = arith.constant 224 : index
    %get3A_610 = tpu.vector_load %arg12[%get3A_609] {strides = array<i32>} : memref<512xf32, #tpu.memory_space<vmem>>, vector<16xf32>,
    %get3A_611 = vector.shape_cast %get3A_610 : vector<16xf32> to vector<16xf32>
    %jit3A_612 = arith.constant 0.000000e+00 : f32
    %jit3A_613 = arith.constant 1.000000e+00 : f32
    %max3A_614 = vector.broadcast %jit3A_612 : f32 to vector<16xf32>
    %max3A_615 = arith.maximumf %max3A_614, %get3A_611 : vector<16xf32>
    %min3A_616 = vector.broadcast %jit3A_613 : f32 to vector<16xf32>
    %min3A_617 = arith.minimumf %min3A_616, %max3A_615 : vector<16xf32>
    %mul3A_618 = arith.constant -1.702000e+00 : f32
    %mul3A_619 = vector.broadcast %mul3A_618 : f32 to vector<16xf32>
    %mul3A_620 = arith.mulf %mul3A_619, %max3A_605 : vector<16xf32>
    %sub3A_621 = arith.subf %get3A_599, %get3A_608 : vector<16xf32>
    %mul3A_622 = arith.mulf %mul3A_620, %sub3A_621 : vector<16xf32>
    %exp3A_623 = math.exp %mul3A_622 : vector<16xf32>
    %add3A_624 = arith.constant 1.000000e+00 : f32
    %add3A_625 = vector.broadcast %add3A_624 : f32 to vector<16xf32>
    %add3A_626 = arith.addf %add3A_625, %exp3A_623 : vector<16xf32>
    %div3A_627 = arith.constant 1.000000e+00 : f32
    %div3A_628 = vector.broadcast %div3A_627 : f32 to vector<16xf32>
    %div3A_629 = arith.divf %div3A_628, %add3A_626 : vector<16xf32>
    %sub3A_630 = arith.constant 1.000000e+00 : f32
    %sub3A_631 = vector.broadcast %sub3A_630 : f32 to vector<16xf32>
    %sub3A_632 = arith.subf %sub3A_631, %min3A_617 : vector<16xf32>
    %mul3A_633 = arith.mulf %sub3A_632, %div3A_629 : vector<16xf32>
    %add3A_634 = arith.addf %min3A_617, %mul3A_633 : vector<16xf32>
    %swap3A_635 = arith.constant 224 : index
    %swap3A_636 = tpu.vector_load %arg13[%swap3A_635] {strides = array<i32>} : memref<512xf32, #tpu.memory_space<vmem>>, vector<16xf32>,
    %swap3A_637 = vector.shape_cast %swap3A_636 : vector<16xf32> to vector<16xf32>
    %swap3A_638 = vector.shape_cast %add3A_634 : vector<16xf32> to vector<16xf32>
    tpu.vector_store %arg13[%swap3A_635], %swap3A_638 {strides = array<i32>} : memref<512xf32, #tpu.memory_space<vmem>>, vector<16xf32>,
    %get3A_639 = arith.constant 240 : index
    %get3A_640 = tpu.vector_load %arg9[%get3A_639] {strides = array<i32>} : memref<512xf32, #tpu.memory_space<vmem>>, vector<16xf32>,
    %get3A_641 = vector.shape_cast %get3A_640 : vector<16xf32> to vector<16xf32>
    %get3A_642 = arith.constant 240 : index
    %get3A_643 = tpu.vector_load %arg10[%get3A_642] {strides = array<i32>} : memref<512xf32, #tpu.memory_space<vmem>>, vector<16xf32>,
    %get3A_644 = vector.shape_cast %get3A_643 : vector<16xf32> to vector<16xf32>
    %max3A_645 = arith.constant 1.000000e-03 : f32
    %max3A_646 = vector.broadcast %max3A_645 : f32 to vector<16xf32>
    %max3A_647 = arith.maximumf %get3A_644, %max3A_646 : vector<16xf32>
    %get3A_648 = arith.constant 240 : index
    %get3A_649 = tpu.vector_load %arg11[%get3A_648] {strides = array<i32>} : memref<512xf32, #tpu.memory_space<vmem>>, vector<16xf32>,
    %get3A_650 = vector.shape_cast %get3A_649 : vector<16xf32> to vector<16xf32>
    %get3A_651 = arith.constant 240 : index
    %get3A_652 = tpu.vector_load %arg12[%get3A_651] {strides = array<i32>} : memref<512xf32, #tpu.memory_space<vmem>>, vector<16xf32>,
    %get3A_653 = vector.shape_cast %get3A_652 : vector<16xf32> to vector<16xf32>
    %jit3A_654 = arith.constant 0.000000e+00 : f32
    %jit3A_655 = arith.constant 1.000000e+00 : f32
    %max3A_656 = vector.broadcast %jit3A_654 : f32 to vector<16xf32>
    %max3A_657 = arith.maximumf %max3A_656, %get3A_653 : vector<16xf32>
    %min3A_658 = vector.broadcast %jit3A_655 : f32 to vector<16xf32>
    %min3A_659 = arith.minimumf %min3A_658, %max3A_657 : vector<16xf32>
    %mul3A_660 = arith.constant -1.702000e+00 : f32
    %mul3A_661 = vector.broadcast %mul3A_660 : f32 to vector<16xf32>
    %mul3A_662 = arith.mulf %mul3A_661, %max3A_647 : vector<16xf32>
    %sub3A_663 = arith.subf %get3A_641, %get3A_650 : vector<16xf32>
    %mul3A_664 = arith.mulf %mul3A_662, %sub3A_663 : vector<16xf32>
    %exp3A_665 = math.exp %mul3A_664 : vector<16xf32>
    %add3A_666 = arith.constant 1.000000e+00 : f32
    %add3A_667 = vector.broadcast %add3A_666 : f32 to vector<16xf32>
    %add3A_668 = arith.addf %add3A_667, %exp3A_665 : vector<16xf32>
    %div3A_669 = arith.constant 1.000000e+00 : f32
    %div3A_670 = vector.broadcast %div3A_669 : f32 to vector<16xf32>
    %div3A_671 = arith.divf %div3A_670, %add3A_668 : vector<16xf32>
    %sub3A_672 = arith.constant 1.000000e+00 : f32
    %sub3A_673 = vector.broadcast %sub3A_672 : f32 to vector<16xf32>
    %sub3A_674 = arith.subf %sub3A_673, %min3A_659 : vector<16xf32>
    %mul3A_675 = arith.mulf %sub3A_674, %div3A_671 : vector<16xf32>
    %add3A_676 = arith.addf %min3A_659, %mul3A_675 : vector<16xf32>
    %swap3A_677 = arith.constant 240 : index
    %swap3A_678 = tpu.vector_load %arg13[%swap3A_677] {strides = array<i32>} : memref<512xf32, #tpu.memory_space<vmem>>, vector<16xf32>,
    %swap3A_679 = vector.shape_cast %swap3A_678 : vector<16xf32> to vector<16xf32>
    %swap3A_680 = vector.shape_cast %add3A_676 : vector<16xf32> to vector<16xf32>
    tpu.vector_store %arg13[%swap3A_677], %swap3A_680 {strides = array<i32>} : memref<512xf32, #tpu.memory_space<vmem>>, vector<16xf32>,
    %get3A_681 = arith.constant 256 : index
    %get3A_682 = tpu.vector_load %arg9[%get3A_681] {strides = array<i32>} : memref<512xf32, #tpu.memory_space<vmem>>, vector<16xf32>,
    %get3A_683 = vector.shape_cast %get3A_682 : vector<16xf32> to vector<16xf32>
    %get3A_684 = arith.constant 256 : index
    %get3A_685 = tpu.vector_load %arg10[%get3A_684] {strides = array<i32>} : memref<512xf32, #tpu.memory_space<vmem>>, vector<16xf32>,
    %get3A_686 = vector.shape_cast %get3A_685 : vector<16xf32> to vector<16xf32>
    %max3A_687 = arith.constant 1.000000e-03 : f32
    %max3A_688 = vector.broadcast %max3A_687 : f32 to vector<16xf32>
    %max3A_689 = arith.maximumf %get3A_686, %max3A_688 : vector<16xf32>
    %get3A_690 = arith.constant 256 : index
    %get3A_691 = tpu.vector_load %arg11[%get3A_690] {strides = array<i32>} : memref<512xf32, #tpu.memory_space<vmem>>, vector<16xf32>,
    %get3A_692 = vector.shape_cast %get3A_691 : vector<16xf32> to vector<16xf32>
    %get3A_693 = arith.constant 256 : index
    %get3A_694 = tpu.vector_load %arg12[%get3A_693] {strides = array<i32>} : memref<512xf32, #tpu.memory_space<vmem>>, vector<16xf32>,
    %get3A_695 = vector.shape_cast %get3A_694 : vector<16xf32> to vector<16xf32>
    %jit3A_696 = arith.constant 0.000000e+00 : f32
    %jit3A_697 = arith.constant 1.000000e+00 : f32
    %max3A_698 = vector.broadcast %jit3A_696 : f32 to vector<16xf32>
    %max3A_699 = arith.maximumf %max3A_698, %get3A_695 : vector<16xf32>
    %min3A_700 = vector.broadcast %jit3A_697 : f32 to vector<16xf32>
    %min3A_701 = arith.minimumf %min3A_700, %max3A_699 : vector<16xf32>
    %mul3A_702 = arith.constant -1.702000e+00 : f32
    %mul3A_703 = vector.broadcast %mul3A_702 : f32 to vector<16xf32>
    %mul3A_704 = arith.mulf %mul3A_703, %max3A_689 : vector<16xf32>
    %sub3A_705 = arith.subf %get3A_683, %get3A_692 : vector<16xf32>
    %mul3A_706 = arith.mulf %mul3A_704, %sub3A_705 : vector<16xf32>
    %exp3A_707 = math.exp %mul3A_706 : vector<16xf32>
    %add3A_708 = arith.constant 1.000000e+00 : f32
    %add3A_709 = vector.broadcast %add3A_708 : f32 to vector<16xf32>
    %add3A_710 = arith.addf %add3A_709, %exp3A_707 : vector<16xf32>
    %div3A_711 = arith.constant 1.000000e+00 : f32
    %div3A_712 = vector.broadcast %div3A_711 : f32 to vector<16xf32>
    %div3A_713 = arith.divf %div3A_712, %add3A_710 : vector<16xf32>
    %sub3A_714 = arith.constant 1.000000e+00 : f32
    %sub3A_715 = vector.broadcast %sub3A_714 : f32 to vector<16xf32>
    %sub3A_716 = arith.subf %sub3A_715, %min3A_701 : vector<16xf32>
    %mul3A_717 = arith.mulf %sub3A_716, %div3A_713 : vector<16xf32>
    %add3A_718 = arith.addf %min3A_701, %mul3A_717 : vector<16xf32>
    %swap3A_719 = arith.constant 256 : index
    %swap3A_720 = tpu.vector_load %arg13[%swap3A_719] {strides = array<i32>} : memref<512xf32, #tpu.memory_space<vmem>>, vector<16xf32>,
    %swap3A_721 = vector.shape_cast %swap3A_720 : vector<16xf32> to vector<16xf32>
    %swap3A_722 = vector.shape_cast %add3A_718 : vector<16xf32> to vector<16xf32>
    tpu.vector_store %arg13[%swap3A_719], %swap3A_722 {strides = array<i32>} : memref<512xf32, #tpu.memory_space<vmem>>, vector<16xf32>,
    %get3A_723 = arith.constant 272 : index
    %get3A_724 = tpu.vector_load %arg9[%get3A_723] {strides = array<i32>} : memref<512xf32, #tpu.memory_space<vmem>>, vector<16xf32>,
    %get3A_725 = vector.shape_cast %get3A_724 : vector<16xf32> to vector<16xf32>
    %get3A_726 = arith.constant 272 : index
    %get3A_727 = tpu.vector_load %arg10[%get3A_726] {strides = array<i32>} : memref<512xf32, #tpu.memory_space<vmem>>, vector<16xf32>,
    %get3A_728 = vector.shape_cast %get3A_727 : vector<16xf32> to vector<16xf32>
    %max3A_729 = arith.constant 1.000000e-03 : f32
    %max3A_730 = vector.broadcast %max3A_729 : f32 to vector<16xf32>
    %max3A_731 = arith.maximumf %get3A_728, %max3A_730 : vector<16xf32>
    %get3A_732 = arith.constant 272 : index
    %get3A_733 = tpu.vector_load %arg11[%get3A_732] {strides = array<i32>} : memref<512xf32, #tpu.memory_space<vmem>>, vector<16xf32>,
    %get3A_734 = vector.shape_cast %get3A_733 : vector<16xf32> to vector<16xf32>
    %get3A_735 = arith.constant 272 : index
    %get3A_736 = tpu.vector_load %arg12[%get3A_735] {strides = array<i32>} : memref<512xf32, #tpu.memory_space<vmem>>, vector<16xf32>,
    %get3A_737 = vector.shape_cast %get3A_736 : vector<16xf32> to vector<16xf32>
    %jit3A_738 = arith.constant 0.000000e+00 : f32
    %jit3A_739 = arith.constant 1.000000e+00 : f32
    %max3A_740 = vector.broadcast %jit3A_738 : f32 to vector<16xf32>
    %max3A_741 = arith.maximumf %max3A_740, %get3A_737 : vector<16xf32>
    %min3A_742 = vector.broadcast %jit3A_739 : f32 to vector<16xf32>
    %min3A_743 = arith.minimumf %min3A_742, %max3A_741 : vector<16xf32>
    %mul3A_744 = arith.constant -1.702000e+00 : f32
    %mul3A_745 = vector.broadcast %mul3A_744 : f32 to vector<16xf32>
    %mul3A_746 = arith.mulf %mul3A_745, %max3A_731 : vector<16xf32>
    %sub3A_747 = arith.subf %get3A_725, %get3A_734 : vector<16xf32>
    %mul3A_748 = arith.mulf %mul3A_746, %sub3A_747 : vector<16xf32>
    %exp3A_749 = math.exp %mul3A_748 : vector<16xf32>
    %add3A_750 = arith.constant 1.000000e+00 : f32
    %add3A_751 = vector.broadcast %add3A_750 : f32 to vector<16xf32>
    %add3A_752 = arith.addf %add3A_751, %exp3A_749 : vector<16xf32>
    %div3A_753 = arith.constant 1.000000e+00 : f32
    %div3A_754 = vector.broadcast %div3A_753 : f32 to vector<16xf32>
    %div3A_755 = arith.divf %div3A_754, %add3A_752 : vector<16xf32>
    %sub3A_756 = arith.constant 1.000000e+00 : f32
    %sub3A_757 = vector.broadcast %sub3A_756 : f32 to vector<16xf32>
    %sub3A_758 = arith.subf %sub3A_757, %min3A_743 : vector<16xf32>
    %mul3A_759 = arith.mulf %sub3A_758, %div3A_755 : vector<16xf32>
    %add3A_760 = arith.addf %min3A_743, %mul3A_759 : vector<16xf32>
    %swap3A_761 = arith.constant 272 : index
    %swap3A_762 = tpu.vector_load %arg13[%swap3A_761] {strides = array<i32>} : memref<512xf32, #tpu.memory_space<vmem>>, vector<16xf32>,
    %swap3A_763 = vector.shape_cast %swap3A_762 : vector<16xf32> to vector<16xf32>
    %swap3A_764 = vector.shape_cast %add3A_760 : vector<16xf32> to vector<16xf32>
    tpu.vector_store %arg13[%swap3A_761], %swap3A_764 {strides = array<i32>} : memref<512xf32, #tpu.memory_space<vmem>>, vector<16xf32>,
    %get3A_765 = arith.constant 288 : index
    %get3A_766 = tpu.vector_load %arg9[%get3A_765] {strides = array<i32>} : memref<512xf32, #tpu.memory_space<vmem>>, vector<16xf32>,
    %get3A_767 = vector.shape_cast %get3A_766 : vector<16xf32> to vector<16xf32>
    %get3A_768 = arith.constant 288 : index
    %get3A_769 = tpu.vector_load %arg10[%get3A_768] {strides = array<i32>} : memref<512xf32, #tpu.memory_space<vmem>>, vector<16xf32>,
    %get3A_770 = vector.shape_cast %get3A_769 : vector<16xf32> to vector<16xf32>
    %max3A_771 = arith.constant 1.000000e-03 : f32
    %max3A_772 = vector.broadcast %max3A_771 : f32 to vector<16xf32>
    %max3A_773 = arith.maximumf %get3A_770, %max3A_772 : vector<16xf32>
    %get3A_774 = arith.constant 288 : index
    %get3A_775 = tpu.vector_load %arg11[%get3A_774] {strides = array<i32>} : memref<512xf32, #tpu.memory_space<vmem>>, vector<16xf32>,
    %get3A_776 = vector.shape_cast %get3A_775 : vector<16xf32> to vector<16xf32>
    %get3A_777 = arith.constant 288 : index
    %get3A_778 = tpu.vector_load %arg12[%get3A_777] {strides = array<i32>} : memref<512xf32, #tpu.memory_space<vmem>>, vector<16xf32>,
    %get3A_779 = vector.shape_cast %get3A_778 : vector<16xf32> to vector<16xf32>
    %jit3A_780 = arith.constant 0.000000e+00 : f32
    %jit3A_781 = arith.constant 1.000000e+00 : f32
    %max3A_782 = vector.broadcast %jit3A_780 : f32 to vector<16xf32>
    %max3A_783 = arith.maximumf %max3A_782, %get3A_779 : vector<16xf32>
    %min3A_784 = vector.broadcast %jit3A_781 : f32 to vector<16xf32>
    %min3A_785 = arith.minimumf %min3A_784, %max3A_783 : vector<16xf32>
    %mul3A_786 = arith.constant -1.702000e+00 : f32
    %mul3A_787 = vector.broadcast %mul3A_786 : f32 to vector<16xf32>
    %mul3A_788 = arith.mulf %mul3A_787, %max3A_773 : vector<16xf32>
    %sub3A_789 = arith.subf %get3A_767, %get3A_776 : vector<16xf32>
    %mul3A_790 = arith.mulf %mul3A_788, %sub3A_789 : vector<16xf32>
    %exp3A_791 = math.exp %mul3A_790 : vector<16xf32>
    %add3A_792 = arith.constant 1.000000e+00 : f32
    %add3A_793 = vector.broadcast %add3A_792 : f32 to vector<16xf32>
    %add3A_794 = arith.addf %add3A_793, %exp3A_791 : vector<16xf32>
    %div3A_795 = arith.constant 1.000000e+00 : f32
    %div3A_796 = vector.broadcast %div3A_795 : f32 to vector<16xf32>
    %div3A_797 = arith.divf %div3A_796, %add3A_794 : vector<16xf32>
    %sub3A_798 = arith.constant 1.000000e+00 : f32
    %sub3A_799 = vector.broadcast %sub3A_798 : f32 to vector<16xf32>
    %sub3A_800 = arith.subf %sub3A_799, %min3A_785 : vector<16xf32>
    %mul3A_801 = arith.mulf %sub3A_800, %div3A_797 : vector<16xf32>
    %add3A_802 = arith.addf %min3A_785, %mul3A_801 : vector<16xf32>
    %swap3A_803 = arith.constant 288 : index
    %swap3A_804 = tpu.vector_load %arg13[%swap3A_803] {strides = array<i32>} : memref<512xf32, #tpu.memory_space<vmem>>, vector<16xf32>,
    %swap3A_805 = vector.shape_cast %swap3A_804 : vector<16xf32> to vector<16xf32>
    %swap3A_806 = vector.shape_cast %add3A_802 : vector<16xf32> to vector<16xf32>
    tpu.vector_store %arg13[%swap3A_803], %swap3A_806 {strides = array<i32>} : memref<512xf32, #tpu.memory_space<vmem>>, vector<16xf32>,
    %get3A_807 = arith.constant 304 : index
    %get3A_808 = tpu.vector_load %arg9[%get3A_807] {strides = array<i32>} : memref<512xf32, #tpu.memory_space<vmem>>, vector<16xf32>,
    %get3A_809 = vector.shape_cast %get3A_808 : vector<16xf32> to vector<16xf32>
    %get3A_810 = arith.constant 304 : index
    %get3A_811 = tpu.vector_load %arg10[%get3A_810] {strides = array<i32>} : memref<512xf32, #tpu.memory_space<vmem>>, vector<16xf32>,
    %get3A_812 = vector.shape_cast %get3A_811 : vector<16xf32> to vector<16xf32>
    %max3A_813 = arith.constant 1.000000e-03 : f32
    %max3A_814 = vector.broadcast %max3A_813 : f32 to vector<16xf32>
    %max3A_815 = arith.maximumf %get3A_812, %max3A_814 : vector<16xf32>
    %get3A_816 = arith.constant 304 : index
    %get3A_817 = tpu.vector_load %arg11[%get3A_816] {strides = array<i32>} : memref<512xf32, #tpu.memory_space<vmem>>, vector<16xf32>,
    %get3A_818 = vector.shape_cast %get3A_817 : vector<16xf32> to vector<16xf32>
    %get3A_819 = arith.constant 304 : index
    %get3A_820 = tpu.vector_load %arg12[%get3A_819] {strides = array<i32>} : memref<512xf32, #tpu.memory_space<vmem>>, vector<16xf32>,
    %get3A_821 = vector.shape_cast %get3A_820 : vector<16xf32> to vector<16xf32>
    %jit3A_822 = arith.constant 0.000000e+00 : f32
    %jit3A_823 = arith.constant 1.000000e+00 : f32
    %max3A_824 = vector.broadcast %jit3A_822 : f32 to vector<16xf32>
    %max3A_825 = arith.maximumf %max3A_824, %get3A_821 : vector<16xf32>
    %min3A_826 = vector.broadcast %jit3A_823 : f32 to vector<16xf32>
    %min3A_827 = arith.minimumf %min3A_826, %max3A_825 : vector<16xf32>
    %mul3A_828 = arith.constant -1.702000e+00 : f32
    %mul3A_829 = vector.broadcast %mul3A_828 : f32 to vector<16xf32>
    %mul3A_830 = arith.mulf %mul3A_829, %max3A_815 : vector<16xf32>
    %sub3A_831 = arith.subf %get3A_809, %get3A_818 : vector<16xf32>
    %mul3A_832 = arith.mulf %mul3A_830, %sub3A_831 : vector<16xf32>
    %exp3A_833 = math.exp %mul3A_832 : vector<16xf32>
    %add3A_834 = arith.constant 1.000000e+00 : f32
    %add3A_835 = vector.broadcast %add3A_834 : f32 to vector<16xf32>
    %add3A_836 = arith.addf %add3A_835, %exp3A_833 : vector<16xf32>
    %div3A_837 = arith.constant 1.000000e+00 : f32
    %div3A_838 = vector.broadcast %div3A_837 : f32 to vector<16xf32>
    %div3A_839 = arith.divf %div3A_838, %add3A_836 : vector<16xf32>
    %sub3A_840 = arith.constant 1.000000e+00 : f32
    %sub3A_841 = vector.broadcast %sub3A_840 : f32 to vector<16xf32>
    %sub3A_842 = arith.subf %sub3A_841, %min3A_827 : vector<16xf32>
    %mul3A_843 = arith.mulf %sub3A_842, %div3A_839 : vector<16xf32>
    %add3A_844 = arith.addf %min3A_827, %mul3A_843 : vector<16xf32>
    %swap3A_845 = arith.constant 304 : index
    %swap3A_846 = tpu.vector_load %arg13[%swap3A_845] {strides = array<i32>} : memref<512xf32, #tpu.memory_space<vmem>>, vector<16xf32>,
    %swap3A_847 = vector.shape_cast %swap3A_846 : vector<16xf32> to vector<16xf32>
    %swap3A_848 = vector.shape_cast %add3A_844 : vector<16xf32> to vector<16xf32>
    tpu.vector_store %arg13[%swap3A_845], %swap3A_848 {strides = array<i32>} : memref<512xf32, #tpu.memory_space<vmem>>, vector<16xf32>,
    %get3A_849 = arith.constant 320 : index
    %get3A_850 = tpu.vector_load %arg9[%get3A_849] {strides = array<i32>} : memref<512xf32, #tpu.memory_space<vmem>>, vector<16xf32>,
    %get3A_851 = vector.shape_cast %get3A_850 : vector<16xf32> to vector<16xf32>
    %get3A_852 = arith.constant 320 : index
    %get3A_853 = tpu.vector_load %arg10[%get3A_852] {strides = array<i32>} : memref<512xf32, #tpu.memory_space<vmem>>, vector<16xf32>,
    %get3A_854 = vector.shape_cast %get3A_853 : vector<16xf32> to vector<16xf32>
    %max3A_855 = arith.constant 1.000000e-03 : f32
    %max3A_856 = vector.broadcast %max3A_855 : f32 to vector<16xf32>
    %max3A_857 = arith.maximumf %get3A_854, %max3A_856 : vector<16xf32>
    %get3A_858 = arith.constant 320 : index
    %get3A_859 = tpu.vector_load %arg11[%get3A_858] {strides = array<i32>} : memref<512xf32, #tpu.memory_space<vmem>>, vector<16xf32>,
    %get3A_860 = vector.shape_cast %get3A_859 : vector<16xf32> to vector<16xf32>
    %get3A_861 = arith.constant 320 : index
    %get3A_862 = tpu.vector_load %arg12[%get3A_861] {strides = array<i32>} : memref<512xf32, #tpu.memory_space<vmem>>, vector<16xf32>,
    %get3A_863 = vector.shape_cast %get3A_862 : vector<16xf32> to vector<16xf32>
    %jit3A_864 = arith.constant 0.000000e+00 : f32
    %jit3A_865 = arith.constant 1.000000e+00 : f32
    %max3A_866 = vector.broadcast %jit3A_864 : f32 to vector<16xf32>
    %max3A_867 = arith.maximumf %max3A_866, %get3A_863 : vector<16xf32>
    %min3A_868 = vector.broadcast %jit3A_865 : f32 to vector<16xf32>
    %min3A_869 = arith.minimumf %min3A_868, %max3A_867 : vector<16xf32>
    %mul3A_870 = arith.constant -1.702000e+00 : f32
    %mul3A_871 = vector.broadcast %mul3A_870 : f32 to vector<16xf32>
    %mul3A_872 = arith.mulf %mul3A_871, %max3A_857 : vector<16xf32>
    %sub3A_873 = arith.subf %get3A_851, %get3A_860 : vector<16xf32>
    %mul3A_874 = arith.mulf %mul3A_872, %sub3A_873 : vector<16xf32>
    %exp3A_875 = math.exp %mul3A_874 : vector<16xf32>
    %add3A_876 = arith.constant 1.000000e+00 : f32
    %add3A_877 = vector.broadcast %add3A_876 : f32 to vector<16xf32>
    %add3A_878 = arith.addf %add3A_877, %exp3A_875 : vector<16xf32>
    %div3A_879 = arith.constant 1.000000e+00 : f32
    %div3A_880 = vector.broadcast %div3A_879 : f32 to vector<16xf32>
    %div3A_881 = arith.divf %div3A_880, %add3A_878 : vector<16xf32>
    %sub3A_882 = arith.constant 1.000000e+00 : f32
    %sub3A_883 = vector.broadcast %sub3A_882 : f32 to vector<16xf32>
    %sub3A_884 = arith.subf %sub3A_883, %min3A_869 : vector<16xf32>
    %mul3A_885 = arith.mulf %sub3A_884, %div3A_881 : vector<16xf32>
    %add3A_886 = arith.addf %min3A_869, %mul3A_885 : vector<16xf32>
    %swap3A_887 = arith.constant 320 : index
    %swap3A_888 = tpu.vector_load %arg13[%swap3A_887] {strides = array<i32>} : memref<512xf32, #tpu.memory_space<vmem>>, vector<16xf32>,
    %swap3A_889 = vector.shape_cast %swap3A_888 : vector<16xf32> to vector<16xf32>
    %swap3A_890 = vector.shape_cast %add3A_886 : vector<16xf32> to vector<16xf32>
    tpu.vector_store %arg13[%swap3A_887], %swap3A_890 {strides = array<i32>} : memref<512xf32, #tpu.memory_space<vmem>>, vector<16xf32>,
    %get3A_891 = arith.constant 336 : index
    %get3A_892 = tpu.vector_load %arg9[%get3A_891] {strides = array<i32>} : memref<512xf32, #tpu.memory_space<vmem>>, vector<16xf32>,
    %get3A_893 = vector.shape_cast %get3A_892 : vector<16xf32> to vector<16xf32>
    %get3A_894 = arith.constant 336 : index
    %get3A_895 = tpu.vector_load %arg10[%get3A_894] {strides = array<i32>} : memref<512xf32, #tpu.memory_space<vmem>>, vector<16xf32>,
    %get3A_896 = vector.shape_cast %get3A_895 : vector<16xf32> to vector<16xf32>
    %max3A_897 = arith.constant 1.000000e-03 : f32
    %max3A_898 = vector.broadcast %max3A_897 : f32 to vector<16xf32>
    %max3A_899 = arith.maximumf %get3A_896, %max3A_898 : vector<16xf32>
    %get3A_900 = arith.constant 336 : index
    %get3A_901 = tpu.vector_load %arg11[%get3A_900] {strides = array<i32>} : memref<512xf32, #tpu.memory_space<vmem>>, vector<16xf32>,
    %get3A_902 = vector.shape_cast %get3A_901 : vector<16xf32> to vector<16xf32>
    %get3A_903 = arith.constant 336 : index
    %get3A_904 = tpu.vector_load %arg12[%get3A_903] {strides = array<i32>} : memref<512xf32, #tpu.memory_space<vmem>>, vector<16xf32>,
    %get3A_905 = vector.shape_cast %get3A_904 : vector<16xf32> to vector<16xf32>
    %jit3A_906 = arith.constant 0.000000e+00 : f32
    %jit3A_907 = arith.constant 1.000000e+00 : f32
    %max3A_908 = vector.broadcast %jit3A_906 : f32 to vector<16xf32>
    %max3A_909 = arith.maximumf %max3A_908, %get3A_905 : vector<16xf32>
    %min3A_910 = vector.broadcast %jit3A_907 : f32 to vector<16xf32>
    %min3A_911 = arith.minimumf %min3A_910, %max3A_909 : vector<16xf32>
    %mul3A_912 = arith.constant -1.702000e+00 : f32
    %mul3A_913 = vector.broadcast %mul3A_912 : f32 to vector<16xf32>
    %mul3A_914 = arith.mulf %mul3A_913, %max3A_899 : vector<16xf32>
    %sub3A_915 = arith.subf %get3A_893, %get3A_902 : vector<16xf32>
    %mul3A_916 = arith.mulf %mul3A_914, %sub3A_915 : vector<16xf32>
    %exp3A_917 = math.exp %mul3A_916 : vector<16xf32>
    %add3A_918 = arith.constant 1.000000e+00 : f32
    %add3A_919 = vector.broadcast %add3A_918 : f32 to vector<16xf32>
    %add3A_920 = arith.addf %add3A_919, %exp3A_917 : vector<16xf32>
    %div3A_921 = arith.constant 1.000000e+00 : f32
    %div3A_922 = vector.broadcast %div3A_921 : f32 to vector<16xf32>
    %div3A_923 = arith.divf %div3A_922, %add3A_920 : vector<16xf32>
    %sub3A_924 = arith.constant 1.000000e+00 : f32
    %sub3A_925 = vector.broadcast %sub3A_924 : f32 to vector<16xf32>
    %sub3A_926 = arith.subf %sub3A_925, %min3A_911 : vector<16xf32>
    %mul3A_927 = arith.mulf %sub3A_926, %div3A_923 : vector<16xf32>
    %add3A_928 = arith.addf %min3A_911, %mul3A_927 : vector<16xf32>
    %swap3A_929 = arith.constant 336 : index
    %swap3A_930 = tpu.vector_load %arg13[%swap3A_929] {strides = array<i32>} : memref<512xf32, #tpu.memory_space<vmem>>, vector<16xf32>,
    %swap3A_931 = vector.shape_cast %swap3A_930 : vector<16xf32> to vector<16xf32>
    %swap3A_932 = vector.shape_cast %add3A_928 : vector<16xf32> to vector<16xf32>
    tpu.vector_store %arg13[%swap3A_929], %swap3A_932 {strides = array<i32>} : memref<512xf32, #tpu.memory_space<vmem>>, vector<16xf32>,
    %get3A_933 = arith.constant 352 : index
    %get3A_934 = tpu.vector_load %arg9[%get3A_933] {strides = array<i32>} : memref<512xf32, #tpu.memory_space<vmem>>, vector<16xf32>,
    %get3A_935 = vector.shape_cast %get3A_934 : vector<16xf32> to vector<16xf32>
    %get3A_936 = arith.constant 352 : index
    %get3A_937 = tpu.vector_load %arg10[%get3A_936] {strides = array<i32>} : memref<512xf32, #tpu.memory_space<vmem>>, vector<16xf32>,
    %get3A_938 = vector.shape_cast %get3A_937 : vector<16xf32> to vector<16xf32>
    %max3A_939 = arith.constant 1.000000e-03 : f32
    %max3A_940 = vector.broadcast %max3A_939 : f32 to vector<16xf32>
    %max3A_941 = arith.maximumf %get3A_938, %max3A_940 : vector<16xf32>
    %get3A_942 = arith.constant 352 : index
    %get3A_943 = tpu.vector_load %arg11[%get3A_942] {strides = array<i32>} : memref<512xf32, #tpu.memory_space<vmem>>, vector<16xf32>,
    %get3A_944 = vector.shape_cast %get3A_943 : vector<16xf32> to vector<16xf32>
    %get3A_945 = arith.constant 352 : index
    %get3A_946 = tpu.vector_load %arg12[%get3A_945] {strides = array<i32>} : memref<512xf32, #tpu.memory_space<vmem>>, vector<16xf32>,
    %get3A_947 = vector.shape_cast %get3A_946 : vector<16xf32> to vector<16xf32>
    %jit3A_948 = arith.constant 0.000000e+00 : f32
    %jit3A_949 = arith.constant 1.000000e+00 : f32
    %max3A_950 = vector.broadcast %jit3A_948 : f32 to vector<16xf32>
    %max3A_951 = arith.maximumf %max3A_950, %get3A_947 : vector<16xf32>
    %min3A_952 = vector.broadcast %jit3A_949 : f32 to vector<16xf32>
    %min3A_953 = arith.minimumf %min3A_952, %max3A_951 : vector<16xf32>
    %mul3A_954 = arith.constant -1.702000e+00 : f32
    %mul3A_955 = vector.broadcast %mul3A_954 : f32 to vector<16xf32>
    %mul3A_956 = arith.mulf %mul3A_955, %max3A_941 : vector<16xf32>
    %sub3A_957 = arith.subf %get3A_935, %get3A_944 : vector<16xf32>
    %mul3A_958 = arith.mulf %mul3A_956, %sub3A_957 : vector<16xf32>
    %exp3A_959 = math.exp %mul3A_958 : vector<16xf32>
    %add3A_960 = arith.constant 1.000000e+00 : f32
    %add3A_961 = vector.broadcast %add3A_960 : f32 to vector<16xf32>
    %add3A_962 = arith.addf %add3A_961, %exp3A_959 : vector<16xf32>
    %div3A_963 = arith.constant 1.000000e+00 : f32
    %div3A_964 = vector.broadcast %div3A_963 : f32 to vector<16xf32>
    %div3A_965 = arith.divf %div3A_964, %add3A_962 : vector<16xf32>
    %sub3A_966 = arith.constant 1.000000e+00 : f32
    %sub3A_967 = vector.broadcast %sub3A_966 : f32 to vector<16xf32>
    %sub3A_968 = arith.subf %sub3A_967, %min3A_953 : vector<16xf32>
    %mul3A_969 = arith.mulf %sub3A_968, %div3A_965 : vector<16xf32>
    %add3A_970 = arith.addf %min3A_953, %mul3A_969 : vector<16xf32>
    %swap3A_971 = arith.constant 352 : index
    %swap3A_972 = tpu.vector_load %arg13[%swap3A_971] {strides = array<i32>} : memref<512xf32, #tpu.memory_space<vmem>>, vector<16xf32>,
    %swap3A_973 = vector.shape_cast %swap3A_972 : vector<16xf32> to vector<16xf32>
    %swap3A_974 = vector.shape_cast %add3A_970 : vector<16xf32> to vector<16xf32>
    tpu.vector_store %arg13[%swap3A_971], %swap3A_974 {strides = array<i32>} : memref<512xf32, #tpu.memory_space<vmem>>, vector<16xf32>,
    %get3A_975 = arith.constant 368 : index
    %get3A_976 = tpu.vector_load %arg9[%get3A_975] {strides = array<i32>} : memref<512xf32, #tpu.memory_space<vmem>>, vector<16xf32>,
    %get3A_977 = vector.shape_cast %get3A_976 : vector<16xf32> to vector<16xf32>
    %get3A_978 = arith.constant 368 : index
    %get3A_979 = tpu.vector_load %arg10[%get3A_978] {strides = array<i32>} : memref<512xf32, #tpu.memory_space<vmem>>, vector<16xf32>,
    %get3A_980 = vector.shape_cast %get3A_979 : vector<16xf32> to vector<16xf32>
    %max3A_981 = arith.constant 1.000000e-03 : f32
    %max3A_982 = vector.broadcast %max3A_981 : f32 to vector<16xf32>
    %max3A_983 = arith.maximumf %get3A_980, %max3A_982 : vector<16xf32>
    %get3A_984 = arith.constant 368 : index
    %get3A_985 = tpu.vector_load %arg11[%get3A_984] {strides = array<i32>} : memref<512xf32, #tpu.memory_space<vmem>>, vector<16xf32>,
    %get3A_986 = vector.shape_cast %get3A_985 : vector<16xf32> to vector<16xf32>
    %get3A_987 = arith.constant 368 : index
    %get3A_988 = tpu.vector_load %arg12[%get3A_987] {strides = array<i32>} : memref<512xf32, #tpu.memory_space<vmem>>, vector<16xf32>,
    %get3A_989 = vector.shape_cast %get3A_988 : vector<16xf32> to vector<16xf32>
    %jit3A_990 = arith.constant 0.000000e+00 : f32
    %jit3A_991 = arith.constant 1.000000e+00 : f32
    %max3A_992 = vector.broadcast %jit3A_990 : f32 to vector<16xf32>
    %max3A_993 = arith.maximumf %max3A_992, %get3A_989 : vector<16xf32>
    %min3A_994 = vector.broadcast %jit3A_991 : f32 to vector<16xf32>
    %min3A_995 = arith.minimumf %min3A_994, %max3A_993 : vector<16xf32>
    %mul3A_996 = arith.constant -1.702000e+00 : f32
    %mul3A_997 = vector.broadcast %mul3A_996 : f32 to vector<16xf32>
    %mul3A_998 = arith.mulf %mul3A_997, %max3A_983 : vector<16xf32>
    %sub3A_999 = arith.subf %get3A_977, %get3A_986 : vector<16xf32>
    %mul3A_1000 = arith.mulf %mul3A_998, %sub3A_999 : vector<16xf32>
    %exp3A_1001 = math.exp %mul3A_1000 : vector<16xf32>
    %add3A_1002 = arith.constant 1.000000e+00 : f32
    %add3A_1003 = vector.broadcast %add3A_1002 : f32 to vector<16xf32>
    %add3A_1004 = arith.addf %add3A_1003, %exp3A_1001 : vector<16xf32>
    %div3A_1005 = arith.constant 1.000000e+00 : f32
    %div3A_1006 = vector.broadcast %div3A_1005 : f32 to vector<16xf32>
    %div3A_1007 = arith.divf %div3A_1006, %add3A_1004 : vector<16xf32>
    %sub3A_1008 = arith.constant 1.000000e+00 : f32
    %sub3A_1009 = vector.broadcast %sub3A_1008 : f32 to vector<16xf32>
    %sub3A_1010 = arith.subf %sub3A_1009, %min3A_995 : vector<16xf32>
    %mul3A_1011 = arith.mulf %sub3A_1010, %div3A_1007 : vector<16xf32>
    %add3A_1012 = arith.addf %min3A_995, %mul3A_1011 : vector<16xf32>
    %swap3A_1013 = arith.constant 368 : index
    %swap3A_1014 = tpu.vector_load %arg13[%swap3A_1013] {strides = array<i32>} : memref<512xf32, #tpu.memory_space<vmem>>, vector<16xf32>,
    %swap3A_1015 = vector.shape_cast %swap3A_1014 : vector<16xf32> to vector<16xf32>
    %swap3A_1016 = vector.shape_cast %add3A_1012 : vector<16xf32> to vector<16xf32>
    tpu.vector_store %arg13[%swap3A_1013], %swap3A_1016 {strides = array<i32>} : memref<512xf32, #tpu.memory_space<vmem>>, vector<16xf32>,
    %get3A_1017 = arith.constant 384 : index
    %get3A_1018 = tpu.vector_load %arg9[%get3A_1017] {strides = array<i32>} : memref<512xf32, #tpu.memory_space<vmem>>, vector<16xf32>,
    %get3A_1019 = vector.shape_cast %get3A_1018 : vector<16xf32> to vector<16xf32>
    %get3A_1020 = arith.constant 384 : index
    %get3A_1021 = tpu.vector_load %arg10[%get3A_1020] {strides = array<i32>} : memref<512xf32, #tpu.memory_space<vmem>>, vector<16xf32>,
    %get3A_1022 = vector.shape_cast %get3A_1021 : vector<16xf32> to vector<16xf32>
    %max3A_1023 = arith.constant 1.000000e-03 : f32
    %max3A_1024 = vector.broadcast %max3A_1023 : f32 to vector<16xf32>
    %max3A_1025 = arith.maximumf %get3A_1022, %max3A_1024 : vector<16xf32>
    %get3A_1026 = arith.constant 384 : index
    %get3A_1027 = tpu.vector_load %arg11[%get3A_1026] {strides = array<i32>} : memref<512xf32, #tpu.memory_space<vmem>>, vector<16xf32>,
    %get3A_1028 = vector.shape_cast %get3A_1027 : vector<16xf32> to vector<16xf32>
    %get3A_1029 = arith.constant 384 : index
    %get3A_1030 = tpu.vector_load %arg12[%get3A_1029] {strides = array<i32>} : memref<512xf32, #tpu.memory_space<vmem>>, vector<16xf32>,
    %get3A_1031 = vector.shape_cast %get3A_1030 : vector<16xf32> to vector<16xf32>
    %jit3A_1032 = arith.constant 0.000000e+00 : f32
    %jit3A_1033 = arith.constant 1.000000e+00 : f32
    %max3A_1034 = vector.broadcast %jit3A_1032 : f32 to vector<16xf32>
    %max3A_1035 = arith.maximumf %max3A_1034, %get3A_1031 : vector<16xf32>
    %min3A_1036 = vector.broadcast %jit3A_1033 : f32 to vector<16xf32>
    %min3A_1037 = arith.minimumf %min3A_1036, %max3A_1035 : vector<16xf32>
    %mul3A_1038 = arith.constant -1.702000e+00 : f32
    %mul3A_1039 = vector.broadcast %mul3A_1038 : f32 to vector<16xf32>
    %mul3A_1040 = arith.mulf %mul3A_1039, %max3A_1025 : vector<16xf32>
    %sub3A_1041 = arith.subf %get3A_1019, %get3A_1028 : vector<16xf32>
    %mul3A_1042 = arith.mulf %mul3A_1040, %sub3A_1041 : vector<16xf32>
    %exp3A_1043 = math.exp %mul3A_1042 : vector<16xf32>
    %add3A_1044 = arith.constant 1.000000e+00 : f32
    %add3A_1045 = vector.broadcast %add3A_1044 : f32 to vector<16xf32>
    %add3A_1046 = arith.addf %add3A_1045, %exp3A_1043 : vector<16xf32>
    %div3A_1047 = arith.constant 1.000000e+00 : f32
    %div3A_1048 = vector.broadcast %div3A_1047 : f32 to vector<16xf32>
    %div3A_1049 = arith.divf %div3A_1048, %add3A_1046 : vector<16xf32>
    %sub3A_1050 = arith.constant 1.000000e+00 : f32
    %sub3A_1051 = vector.broadcast %sub3A_1050 : f32 to vector<16xf32>
    %sub3A_1052 = arith.subf %sub3A_1051, %min3A_1037 : vector<16xf32>
    %mul3A_1053 = arith.mulf %sub3A_1052, %div3A_1049 : vector<16xf32>
    %add3A_1054 = arith.addf %min3A_1037, %mul3A_1053 : vector<16xf32>
    %swap3A_1055 = arith.constant 384 : index
    %swap3A_1056 = tpu.vector_load %arg13[%swap3A_1055] {strides = array<i32>} : memref<512xf32, #tpu.memory_space<vmem>>, vector<16xf32>,
    %swap3A_1057 = vector.shape_cast %swap3A_1056 : vector<16xf32> to vector<16xf32>
    %swap3A_1058 = vector.shape_cast %add3A_1054 : vector<16xf32> to vector<16xf32>
    tpu.vector_store %arg13[%swap3A_1055], %swap3A_1058 {strides = array<i32>} : memref<512xf32, #tpu.memory_space<vmem>>, vector<16xf32>,
    %get3A_1059 = arith.constant 400 : index
    %get3A_1060 = tpu.vector_load %arg9[%get3A_1059] {strides = array<i32>} : memref<512xf32, #tpu.memory_space<vmem>>, vector<16xf32>,
    %get3A_1061 = vector.shape_cast %get3A_1060 : vector<16xf32> to vector<16xf32>
    %get3A_1062 = arith.constant 400 : index
    %get3A_1063 = tpu.vector_load %arg10[%get3A_1062] {strides = array<i32>} : memref<512xf32, #tpu.memory_space<vmem>>, vector<16xf32>,
    %get3A_1064 = vector.shape_cast %get3A_1063 : vector<16xf32> to vector<16xf32>
    %max3A_1065 = arith.constant 1.000000e-03 : f32
    %max3A_1066 = vector.broadcast %max3A_1065 : f32 to vector<16xf32>
    %max3A_1067 = arith.maximumf %get3A_1064, %max3A_1066 : vector<16xf32>
    %get3A_1068 = arith.constant 400 : index
    %get3A_1069 = tpu.vector_load %arg11[%get3A_1068] {strides = array<i32>} : memref<512xf32, #tpu.memory_space<vmem>>, vector<16xf32>,
    %get3A_1070 = vector.shape_cast %get3A_1069 : vector<16xf32> to vector<16xf32>
    %get3A_1071 = arith.constant 400 : index
    %get3A_1072 = tpu.vector_load %arg12[%get3A_1071] {strides = array<i32>} : memref<512xf32, #tpu.memory_space<vmem>>, vector<16xf32>,
    %get3A_1073 = vector.shape_cast %get3A_1072 : vector<16xf32> to vector<16xf32>
    %jit3A_1074 = arith.constant 0.000000e+00 : f32
    %jit3A_1075 = arith.constant 1.000000e+00 : f32
    %max3A_1076 = vector.broadcast %jit3A_1074 : f32 to vector<16xf32>
    %max3A_1077 = arith.maximumf %max3A_1076, %get3A_1073 : vector<16xf32>
    %min3A_1078 = vector.broadcast %jit3A_1075 : f32 to vector<16xf32>
    %min3A_1079 = arith.minimumf %min3A_1078, %max3A_1077 : vector<16xf32>
    %mul3A_1080 = arith.constant -1.702000e+00 : f32
    %mul3A_1081 = vector.broadcast %mul3A_1080 : f32 to vector<16xf32>
    %mul3A_1082 = arith.mulf %mul3A_1081, %max3A_1067 : vector<16xf32>
    %sub3A_1083 = arith.subf %get3A_1061, %get3A_1070 : vector<16xf32>
    %mul3A_1084 = arith.mulf %mul3A_1082, %sub3A_1083 : vector<16xf32>
    %exp3A_1085 = math.exp %mul3A_1084 : vector<16xf32>
    %add3A_1086 = arith.constant 1.000000e+00 : f32
    %add3A_1087 = vector.broadcast %add3A_1086 : f32 to vector<16xf32>
    %add3A_1088 = arith.addf %add3A_1087, %exp3A_1085 : vector<16xf32>
    %div3A_1089 = arith.constant 1.000000e+00 : f32
    %div3A_1090 = vector.broadcast %div3A_1089 : f32 to vector<16xf32>
    %div3A_1091 = arith.divf %div3A_1090, %add3A_1088 : vector<16xf32>
    %sub3A_1092 = arith.constant 1.000000e+00 : f32
    %sub3A_1093 = vector.broadcast %sub3A_1092 : f32 to vector<16xf32>
    %sub3A_1094 = arith.subf %sub3A_1093, %min3A_1079 : vector<16xf32>
    %mul3A_1095 = arith.mulf %sub3A_1094, %div3A_1091 : vector<16xf32>
    %add3A_1096 = arith.addf %min3A_1079, %mul3A_1095 : vector<16xf32>
    %swap3A_1097 = arith.constant 400 : index
    %swap3A_1098 = tpu.vector_load %arg13[%swap3A_1097] {strides = array<i32>} : memref<512xf32, #tpu.memory_space<vmem>>, vector<16xf32>,
    %swap3A_1099 = vector.shape_cast %swap3A_1098 : vector<16xf32> to vector<16xf32>
    %swap3A_1100 = vector.shape_cast %add3A_1096 : vector<16xf32> to vector<16xf32>
    tpu.vector_store %arg13[%swap3A_1097], %swap3A_1100 {strides = array<i32>} : memref<512xf32, #tpu.memory_space<vmem>>, vector<16xf32>,
    %get3A_1101 = arith.constant 416 : index
    %get3A_1102 = tpu.vector_load %arg9[%get3A_1101] {strides = array<i32>} : memref<512xf32, #tpu.memory_space<vmem>>, vector<16xf32>,
    %get3A_1103 = vector.shape_cast %get3A_1102 : vector<16xf32> to vector<16xf32>
    %get3A_1104 = arith.constant 416 : index
    %get3A_1105 = tpu.vector_load %arg10[%get3A_1104] {strides = array<i32>} : memref<512xf32, #tpu.memory_space<vmem>>, vector<16xf32>,
    %get3A_1106 = vector.shape_cast %get3A_1105 : vector<16xf32> to vector<16xf32>
    %max3A_1107 = arith.constant 1.000000e-03 : f32
    %max3A_1108 = vector.broadcast %max3A_1107 : f32 to vector<16xf32>
    %max3A_1109 = arith.maximumf %get3A_1106, %max3A_1108 : vector<16xf32>
    %get3A_1110 = arith.constant 416 : index
    %get3A_1111 = tpu.vector_load %arg11[%get3A_1110] {strides = array<i32>} : memref<512xf32, #tpu.memory_space<vmem>>, vector<16xf32>,
    %get3A_1112 = vector.shape_cast %get3A_1111 : vector<16xf32> to vector<16xf32>
    %get3A_1113 = arith.constant 416 : index
    %get3A_1114 = tpu.vector_load %arg12[%get3A_1113] {strides = array<i32>} : memref<512xf32, #tpu.memory_space<vmem>>, vector<16xf32>,
    %get3A_1115 = vector.shape_cast %get3A_1114 : vector<16xf32> to vector<16xf32>
    %jit3A_1116 = arith.constant 0.000000e+00 : f32
    %jit3A_1117 = arith.constant 1.000000e+00 : f32
    %max3A_1118 = vector.broadcast %jit3A_1116 : f32 to vector<16xf32>
    %max3A_1119 = arith.maximumf %max3A_1118, %get3A_1115 : vector<16xf32>
    %min3A_1120 = vector.broadcast %jit3A_1117 : f32 to vector<16xf32>
    %min3A_1121 = arith.minimumf %min3A_1120, %max3A_1119 : vector<16xf32>
    %mul3A_1122 = arith.constant -1.702000e+00 : f32
    %mul3A_1123 = vector.broadcast %mul3A_1122 : f32 to vector<16xf32>
    %mul3A_1124 = arith.mulf %mul3A_1123, %max3A_1109 : vector<16xf32>
    %sub3A_1125 = arith.subf %get3A_1103, %get3A_1112 : vector<16xf32>
    %mul3A_1126 = arith.mulf %mul3A_1124, %sub3A_1125 : vector<16xf32>
    %exp3A_1127 = math.exp %mul3A_1126 : vector<16xf32>
    %add3A_1128 = arith.constant 1.000000e+00 : f32
    %add3A_1129 = vector.broadcast %add3A_1128 : f32 to vector<16xf32>
    %add3A_1130 = arith.addf %add3A_1129, %exp3A_1127 : vector<16xf32>
    %div3A_1131 = arith.constant 1.000000e+00 : f32
    %div3A_1132 = vector.broadcast %div3A_1131 : f32 to vector<16xf32>
    %div3A_1133 = arith.divf %div3A_1132, %add3A_1130 : vector<16xf32>
    %sub3A_1134 = arith.constant 1.000000e+00 : f32
    %sub3A_1135 = vector.broadcast %sub3A_1134 : f32 to vector<16xf32>
    %sub3A_1136 = arith.subf %sub3A_1135, %min3A_1121 : vector<16xf32>
    %mul3A_1137 = arith.mulf %sub3A_1136, %div3A_1133 : vector<16xf32>
    %add3A_1138 = arith.addf %min3A_1121, %mul3A_1137 : vector<16xf32>
    %swap3A_1139 = arith.constant 416 : index
    %swap3A_1140 = tpu.vector_load %arg13[%swap3A_1139] {strides = array<i32>} : memref<512xf32, #tpu.memory_space<vmem>>, vector<16xf32>,
    %swap3A_1141 = vector.shape_cast %swap3A_1140 : vector<16xf32> to vector<16xf32>
    %swap3A_1142 = vector.shape_cast %add3A_1138 : vector<16xf32> to vector<16xf32>
    tpu.vector_store %arg13[%swap3A_1139], %swap3A_1142 {strides = array<i32>} : memref<512xf32, #tpu.memory_space<vmem>>, vector<16xf32>,
    %get3A_1143 = arith.constant 432 : index
    %get3A_1144 = tpu.vector_load %arg9[%get3A_1143] {strides = array<i32>} : memref<512xf32, #tpu.memory_space<vmem>>, vector<16xf32>,
    %get3A_1145 = vector.shape_cast %get3A_1144 : vector<16xf32> to vector<16xf32>
    %get3A_1146 = arith.constant 432 : index
    %get3A_1147 = tpu.vector_load %arg10[%get3A_1146] {strides = array<i32>} : memref<512xf32, #tpu.memory_space<vmem>>, vector<16xf32>,
    %get3A_1148 = vector.shape_cast %get3A_1147 : vector<16xf32> to vector<16xf32>
    %max3A_1149 = arith.constant 1.000000e-03 : f32
    %max3A_1150 = vector.broadcast %max3A_1149 : f32 to vector<16xf32>
    %max3A_1151 = arith.maximumf %get3A_1148, %max3A_1150 : vector<16xf32>
    %get3A_1152 = arith.constant 432 : index
    %get3A_1153 = tpu.vector_load %arg11[%get3A_1152] {strides = array<i32>} : memref<512xf32, #tpu.memory_space<vmem>>, vector<16xf32>,
    %get3A_1154 = vector.shape_cast %get3A_1153 : vector<16xf32> to vector<16xf32>
    %get3A_1155 = arith.constant 432 : index
    %get3A_1156 = tpu.vector_load %arg12[%get3A_1155] {strides = array<i32>} : memref<512xf32, #tpu.memory_space<vmem>>, vector<16xf32>,
    %get3A_1157 = vector.shape_cast %get3A_1156 : vector<16xf32> to vector<16xf32>
    %jit3A_1158 = arith.constant 0.000000e+00 : f32
    %jit3A_1159 = arith.constant 1.000000e+00 : f32
    %max3A_1160 = vector.broadcast %jit3A_1158 : f32 to vector<16xf32>
    %max3A_1161 = arith.maximumf %max3A_1160, %get3A_1157 : vector<16xf32>
    %min3A_1162 = vector.broadcast %jit3A_1159 : f32 to vector<16xf32>
    %min3A_1163 = arith.minimumf %min3A_1162, %max3A_1161 : vector<16xf32>
    %mul3A_1164 = arith.constant -1.702000e+00 : f32
    %mul3A_1165 = vector.broadcast %mul3A_1164 : f32 to vector<16xf32>
    %mul3A_1166 = arith.mulf %mul3A_1165, %max3A_1151 : vector<16xf32>
    %sub3A_1167 = arith.subf %get3A_1145, %get3A_1154 : vector<16xf32>
    %mul3A_1168 = arith.mulf %mul3A_1166, %sub3A_1167 : vector<16xf32>
    %exp3A_1169 = math.exp %mul3A_1168 : vector<16xf32>
    %add3A_1170 = arith.constant 1.000000e+00 : f32
    %add3A_1171 = vector.broadcast %add3A_1170 : f32 to vector<16xf32>
    %add3A_1172 = arith.addf %add3A_1171, %exp3A_1169 : vector<16xf32>
    %div3A_1173 = arith.constant 1.000000e+00 : f32
    %div3A_1174 = vector.broadcast %div3A_1173 : f32 to vector<16xf32>
    %div3A_1175 = arith.divf %div3A_1174, %add3A_1172 : vector<16xf32>
    %sub3A_1176 = arith.constant 1.000000e+00 : f32
    %sub3A_1177 = vector.broadcast %sub3A_1176 : f32 to vector<16xf32>
    %sub3A_1178 = arith.subf %sub3A_1177, %min3A_1163 : vector<16xf32>
    %mul3A_1179 = arith.mulf %sub3A_1178, %div3A_1175 : vector<16xf32>
    %add3A_1180 = arith.addf %min3A_1163, %mul3A_1179 : vector<16xf32>
    %swap3A_1181 = arith.constant 432 : index
    %swap3A_1182 = tpu.vector_load %arg13[%swap3A_1181] {strides = array<i32>} : memref<512xf32, #tpu.memory_space<vmem>>, vector<16xf32>,
    %swap3A_1183 = vector.shape_cast %swap3A_1182 : vector<16xf32> to vector<16xf32>
    %swap3A_1184 = vector.shape_cast %add3A_1180 : vector<16xf32> to vector<16xf32>
    tpu.vector_store %arg13[%swap3A_1181], %swap3A_1184 {strides = array<i32>} : memref<512xf32, #tpu.memory_space<vmem>>, vector<16xf32>,
    %get3A_1185 = arith.constant 448 : index
    %get3A_1186 = tpu.vector_load %arg9[%get3A_1185] {strides = array<i32>} : memref<512xf32, #tpu.memory_space<vmem>>, vector<16xf32>,
    %get3A_1187 = vector.shape_cast %get3A_1186 : vector<16xf32> to vector<16xf32>
    %get3A_1188 = arith.constant 448 : index
    %get3A_1189 = tpu.vector_load %arg10[%get3A_1188] {strides = array<i32>} : memref<512xf32, #tpu.memory_space<vmem>>, vector<16xf32>,
    %get3A_1190 = vector.shape_cast %get3A_1189 : vector<16xf32> to vector<16xf32>
    %max3A_1191 = arith.constant 1.000000e-03 : f32
    %max3A_1192 = vector.broadcast %max3A_1191 : f32 to vector<16xf32>
    %max3A_1193 = arith.maximumf %get3A_1190, %max3A_1192 : vector<16xf32>
    %get3A_1194 = arith.constant 448 : index
    %get3A_1195 = tpu.vector_load %arg11[%get3A_1194] {strides = array<i32>} : memref<512xf32, #tpu.memory_space<vmem>>, vector<16xf32>,
    %get3A_1196 = vector.shape_cast %get3A_1195 : vector<16xf32> to vector<16xf32>
    %get3A_1197 = arith.constant 448 : index
    %get3A_1198 = tpu.vector_load %arg12[%get3A_1197] {strides = array<i32>} : memref<512xf32, #tpu.memory_space<vmem>>, vector<16xf32>,
    %get3A_1199 = vector.shape_cast %get3A_1198 : vector<16xf32> to vector<16xf32>
    %jit3A_1200 = arith.constant 0.000000e+00 : f32
    %jit3A_1201 = arith.constant 1.000000e+00 : f32
    %max3A_1202 = vector.broadcast %jit3A_1200 : f32 to vector<16xf32>
    %max3A_1203 = arith.maximumf %max3A_1202, %get3A_1199 : vector<16xf32>
    %min3A_1204 = vector.broadcast %jit3A_1201 : f32 to vector<16xf32>
    %min3A_1205 = arith.minimumf %min3A_1204, %max3A_1203 : vector<16xf32>
    %mul3A_1206 = arith.constant -1.702000e+00 : f32
    %mul3A_1207 = vector.broadcast %mul3A_1206 : f32 to vector<16xf32>
    %mul3A_1208 = arith.mulf %mul3A_1207, %max3A_1193 : vector<16xf32>
    %sub3A_1209 = arith.subf %get3A_1187, %get3A_1196 : vector<16xf32>
    %mul3A_1210 = arith.mulf %mul3A_1208, %sub3A_1209 : vector<16xf32>
    %exp3A_1211 = math.exp %mul3A_1210 : vector<16xf32>
    %add3A_1212 = arith.constant 1.000000e+00 : f32
    %add3A_1213 = vector.broadcast %add3A_1212 : f32 to vector<16xf32>
    %add3A_1214 = arith.addf %add3A_1213, %exp3A_1211 : vector<16xf32>
    %div3A_1215 = arith.constant 1.000000e+00 : f32
    %div3A_1216 = vector.broadcast %div3A_1215 : f32 to vector<16xf32>
    %div3A_1217 = arith.divf %div3A_1216, %add3A_1214 : vector<16xf32>
    %sub3A_1218 = arith.constant 1.000000e+00 : f32
    %sub3A_1219 = vector.broadcast %sub3A_1218 : f32 to vector<16xf32>
    %sub3A_1220 = arith.subf %sub3A_1219, %min3A_1205 : vector<16xf32>
    %mul3A_1221 = arith.mulf %sub3A_1220, %div3A_1217 : vector<16xf32>
    %add3A_1222 = arith.addf %min3A_1205, %mul3A_1221 : vector<16xf32>
    %swap3A_1223 = arith.constant 448 : index
    %swap3A_1224 = tpu.vector_load %arg13[%swap3A_1223] {strides = array<i32>} : memref<512xf32, #tpu.memory_space<vmem>>, vector<16xf32>,
    %swap3A_1225 = vector.shape_cast %swap3A_1224 : vector<16xf32> to vector<16xf32>
    %swap3A_1226 = vector.shape_cast %add3A_1222 : vector<16xf32> to vector<16xf32>
    tpu.vector_store %arg13[%swap3A_1223], %swap3A_1226 {strides = array<i32>} : memref<512xf32, #tpu.memory_space<vmem>>, vector<16xf32>,
    %get3A_1227 = arith.constant 464 : index
    %get3A_1228 = tpu.vector_load %arg9[%get3A_1227] {strides = array<i32>} : memref<512xf32, #tpu.memory_space<vmem>>, vector<16xf32>,
    %get3A_1229 = vector.shape_cast %get3A_1228 : vector<16xf32> to vector<16xf32>
    %get3A_1230 = arith.constant 464 : index
    %get3A_1231 = tpu.vector_load %arg10[%get3A_1230] {strides = array<i32>} : memref<512xf32, #tpu.memory_space<vmem>>, vector<16xf32>,
    %get3A_1232 = vector.shape_cast %get3A_1231 : vector<16xf32> to vector<16xf32>
    %max3A_1233 = arith.constant 1.000000e-03 : f32
    %max3A_1234 = vector.broadcast %max3A_1233 : f32 to vector<16xf32>
    %max3A_1235 = arith.maximumf %get3A_1232, %max3A_1234 : vector<16xf32>
    %get3A_1236 = arith.constant 464 : index
    %get3A_1237 = tpu.vector_load %arg11[%get3A_1236] {strides = array<i32>} : memref<512xf32, #tpu.memory_space<vmem>>, vector<16xf32>,
    %get3A_1238 = vector.shape_cast %get3A_1237 : vector<16xf32> to vector<16xf32>
    %get3A_1239 = arith.constant 464 : index
    %get3A_1240 = tpu.vector_load %arg12[%get3A_1239] {strides = array<i32>} : memref<512xf32, #tpu.memory_space<vmem>>, vector<16xf32>,
    %get3A_1241 = vector.shape_cast %get3A_1240 : vector<16xf32> to vector<16xf32>
    %jit3A_1242 = arith.constant 0.000000e+00 : f32
    %jit3A_1243 = arith.constant 1.000000e+00 : f32
    %max3A_1244 = vector.broadcast %jit3A_1242 : f32 to vector<16xf32>
    %max3A_1245 = arith.maximumf %max3A_1244, %get3A_1241 : vector<16xf32>
    %min3A_1246 = vector.broadcast %jit3A_1243 : f32 to vector<16xf32>
    %min3A_1247 = arith.minimumf %min3A_1246, %max3A_1245 : vector<16xf32>
    %mul3A_1248 = arith.constant -1.702000e+00 : f32
    %mul3A_1249 = vector.broadcast %mul3A_1248 : f32 to vector<16xf32>
    %mul3A_1250 = arith.mulf %mul3A_1249, %max3A_1235 : vector<16xf32>
    %sub3A_1251 = arith.subf %get3A_1229, %get3A_1238 : vector<16xf32>
    %mul3A_1252 = arith.mulf %mul3A_1250, %sub3A_1251 : vector<16xf32>
    %exp3A_1253 = math.exp %mul3A_1252 : vector<16xf32>
    %add3A_1254 = arith.constant 1.000000e+00 : f32
    %add3A_1255 = vector.broadcast %add3A_1254 : f32 to vector<16xf32>
    %add3A_1256 = arith.addf %add3A_1255, %exp3A_1253 : vector<16xf32>
    %div3A_1257 = arith.constant 1.000000e+00 : f32
    %div3A_1258 = vector.broadcast %div3A_1257 : f32 to vector<16xf32>
    %div3A_1259 = arith.divf %div3A_1258, %add3A_1256 : vector<16xf32>
    %sub3A_1260 = arith.constant 1.000000e+00 : f32
    %sub3A_1261 = vector.broadcast %sub3A_1260 : f32 to vector<16xf32>
    %sub3A_1262 = arith.subf %sub3A_1261, %min3A_1247 : vector<16xf32>
    %mul3A_1263 = arith.mulf %sub3A_1262, %div3A_1259 : vector<16xf32>
    %add3A_1264 = arith.addf %min3A_1247, %mul3A_1263 : vector<16xf32>
    %swap3A_1265 = arith.constant 464 : index
    %swap3A_1266 = tpu.vector_load %arg13[%swap3A_1265] {strides = array<i32>} : memref<512xf32, #tpu.memory_space<vmem>>, vector<16xf32>,
    %swap3A_1267 = vector.shape_cast %swap3A_1266 : vector<16xf32> to vector<16xf32>
    %swap3A_1268 = vector.shape_cast %add3A_1264 : vector<16xf32> to vector<16xf32>
    tpu.vector_store %arg13[%swap3A_1265], %swap3A_1268 {strides = array<i32>} : memref<512xf32, #tpu.memory_space<vmem>>, vector<16xf32>,
    %get3A_1269 = arith.constant 480 : index
    %get3A_1270 = tpu.vector_load %arg9[%get3A_1269] {strides = array<i32>} : memref<512xf32, #tpu.memory_space<vmem>>, vector<16xf32>,
    %get3A_1271 = vector.shape_cast %get3A_1270 : vector<16xf32> to vector<16xf32>
    %get3A_1272 = arith.constant 480 : index
    %get3A_1273 = tpu.vector_load %arg10[%get3A_1272] {strides = array<i32>} : memref<512xf32, #tpu.memory_space<vmem>>, vector<16xf32>,
    %get3A_1274 = vector.shape_cast %get3A_1273 : vector<16xf32> to vector<16xf32>
    %max3A_1275 = arith.constant 1.000000e-03 : f32
    %max3A_1276 = vector.broadcast %max3A_1275 : f32 to vector<16xf32>
    %max3A_1277 = arith.maximumf %get3A_1274, %max3A_1276 : vector<16xf32>
    %get3A_1278 = arith.constant 480 : index
    %get3A_1279 = tpu.vector_load %arg11[%get3A_1278] {strides = array<i32>} : memref<512xf32, #tpu.memory_space<vmem>>, vector<16xf32>,
    %get3A_1280 = vector.shape_cast %get3A_1279 : vector<16xf32> to vector<16xf32>
    %get3A_1281 = arith.constant 480 : index
    %get3A_1282 = tpu.vector_load %arg12[%get3A_1281] {strides = array<i32>} : memref<512xf32, #tpu.memory_space<vmem>>, vector<16xf32>,
    %get3A_1283 = vector.shape_cast %get3A_1282 : vector<16xf32> to vector<16xf32>
    %jit3A_1284 = arith.constant 0.000000e+00 : f32
    %jit3A_1285 = arith.constant 1.000000e+00 : f32
    %max3A_1286 = vector.broadcast %jit3A_1284 : f32 to vector<16xf32>
    %max3A_1287 = arith.maximumf %max3A_1286, %get3A_1283 : vector<16xf32>
    %min3A_1288 = vector.broadcast %jit3A_1285 : f32 to vector<16xf32>
    %min3A_1289 = arith.minimumf %min3A_1288, %max3A_1287 : vector<16xf32>
    %mul3A_1290 = arith.constant -1.702000e+00 : f32
    %mul3A_1291 = vector.broadcast %mul3A_1290 : f32 to vector<16xf32>
    %mul3A_1292 = arith.mulf %mul3A_1291, %max3A_1277 : vector<16xf32>
    %sub3A_1293 = arith.subf %get3A_1271, %get3A_1280 : vector<16xf32>
    %mul3A_1294 = arith.mulf %mul3A_1292, %sub3A_1293 : vector<16xf32>
    %exp3A_1295 = math.exp %mul3A_1294 : vector<16xf32>
    %add3A_1296 = arith.constant 1.000000e+00 : f32
    %add3A_1297 = vector.broadcast %add3A_1296 : f32 to vector<16xf32>
    %add3A_1298 = arith.addf %add3A_1297, %exp3A_1295 : vector<16xf32>
    %div3A_1299 = arith.constant 1.000000e+00 : f32
    %div3A_1300 = vector.broadcast %div3A_1299 : f32 to vector<16xf32>
    %div3A_1301 = arith.divf %div3A_1300, %add3A_1298 : vector<16xf32>
    %sub3A_1302 = arith.constant 1.000000e+00 : f32
    %sub3A_1303 = vector.broadcast %sub3A_1302 : f32 to vector<16xf32>
    %sub3A_1304 = arith.subf %sub3A_1303, %min3A_1289 : vector<16xf32>
    %mul3A_1305 = arith.mulf %sub3A_1304, %div3A_1301 : vector<16xf32>
    %add3A_1306 = arith.addf %min3A_1289, %mul3A_1305 : vector<16xf32>
    %swap3A_1307 = arith.constant 480 : index
    %swap3A_1308 = tpu.vector_load %arg13[%swap3A_1307] {strides = array<i32>} : memref<512xf32, #tpu.memory_space<vmem>>, vector<16xf32>,
    %swap3A_1309 = vector.shape_cast %swap3A_1308 : vector<16xf32> to vector<16xf32>
    %swap3A_1310 = vector.shape_cast %add3A_1306 : vector<16xf32> to vector<16xf32>
    tpu.vector_store %arg13[%swap3A_1307], %swap3A_1310 {strides = array<i32>} : memref<512xf32, #tpu.memory_space<vmem>>, vector<16xf32>,
    %get3A_1311 = arith.constant 496 : index
    %get3A_1312 = tpu.vector_load %arg9[%get3A_1311] {strides = array<i32>} : memref<512xf32, #tpu.memory_space<vmem>>, vector<16xf32>,
    %get3A_1313 = vector.shape_cast %get3A_1312 : vector<16xf32> to vector<16xf32>
    %get3A_1314 = arith.constant 496 : index
    %get3A_1315 = tpu.vector_load %arg10[%get3A_1314] {strides = array<i32>} : memref<512xf32, #tpu.memory_space<vmem>>, vector<16xf32>,
    %get3A_1316 = vector.shape_cast %get3A_1315 : vector<16xf32> to vector<16xf32>
    %max3A_1317 = arith.constant 1.000000e-03 : f32
    %max3A_1318 = vector.broadcast %max3A_1317 : f32 to vector<16xf32>
    %max3A_1319 = arith.maximumf %get3A_1316, %max3A_1318 : vector<16xf32>
    %get3A_1320 = arith.constant 496 : index
    %get3A_1321 = tpu.vector_load %arg11[%get3A_1320] {strides = array<i32>} : memref<512xf32, #tpu.memory_space<vmem>>, vector<16xf32>,
    %get3A_1322 = vector.shape_cast %get3A_1321 : vector<16xf32> to vector<16xf32>
    %get3A_1323 = arith.constant 496 : index
    %get3A_1324 = tpu.vector_load %arg12[%get3A_1323] {strides = array<i32>} : memref<512xf32, #tpu.memory_space<vmem>>, vector<16xf32>,
    %get3A_1325 = vector.shape_cast %get3A_1324 : vector<16xf32> to vector<16xf32>
    %jit3A_1326 = arith.constant 0.000000e+00 : f32
    %jit3A_1327 = arith.constant 1.000000e+00 : f32
    %max3A_1328 = vector.broadcast %jit3A_1326 : f32 to vector<16xf32>
    %max3A_1329 = arith.maximumf %max3A_1328, %get3A_1325 : vector<16xf32>
    %min3A_1330 = vector.broadcast %jit3A_1327 : f32 to vector<16xf32>
    %min3A_1331 = arith.minimumf %min3A_1330, %max3A_1329 : vector<16xf32>
    %mul3A_1332 = arith.constant -1.702000e+00 : f32
    %mul3A_1333 = vector.broadcast %mul3A_1332 : f32 to vector<16xf32>
    %mul3A_1334 = arith.mulf %mul3A_1333, %max3A_1319 : vector<16xf32>
    %sub3A_1335 = arith.subf %get3A_1313, %get3A_1322 : vector<16xf32>
    %mul3A_1336 = arith.mulf %mul3A_1334, %sub3A_1335 : vector<16xf32>
    %exp3A_1337 = math.exp %mul3A_1336 : vector<16xf32>
    %add3A_1338 = arith.constant 1.000000e+00 : f32
    %add3A_1339 = vector.broadcast %add3A_1338 : f32 to vector<16xf32>
    %add3A_1340 = arith.addf %add3A_1339, %exp3A_1337 : vector<16xf32>
    %div3A_1341 = arith.constant 1.000000e+00 : f32
    %div3A_1342 = vector.broadcast %div3A_1341 : f32 to vector<16xf32>
    %div3A_1343 = arith.divf %div3A_1342, %add3A_1340 : vector<16xf32>
    %sub3A_1344 = arith.constant 1.000000e+00 : f32
    %sub3A_1345 = vector.broadcast %sub3A_1344 : f32 to vector<16xf32>
    %sub3A_1346 = arith.subf %sub3A_1345, %min3A_1331 : vector<16xf32>
    %mul3A_1347 = arith.mulf %sub3A_1346, %div3A_1343 : vector<16xf32>
    %add3A_1348 = arith.addf %min3A_1331, %mul3A_1347 : vector<16xf32>
    %swap3A_1349 = arith.constant 496 : index
    %swap3A_1350 = tpu.vector_load %arg13[%swap3A_1349] {strides = array<i32>} : memref<512xf32, #tpu.memory_space<vmem>>, vector<16xf32>,
    %swap3A_1351 = vector.shape_cast %swap3A_1350 : vector<16xf32> to vector<16xf32>
    %swap3A_1352 = vector.shape_cast %add3A_1348 : vector<16xf32> to vector<16xf32>
    tpu.vector_store %arg13[%swap3A_1349], %swap3A_1352 {strides = array<i32>} : memref<512xf32, #tpu.memory_space<vmem>>, vector<16xf32>,
    "tpu.region"() ({
      %run_scoped3A = tpu.sem_alloc : memref<!tpu.dma_semaphore, #tpu.memory_space<semaphore_mem>>
      %dma_start3A_1353 = tpu.memref_slice %arg7[%mul3A_2] : memref<16384xf32, #tpu.memory_space<hbm>> -> memref<512xf32, #tpu.memory_space<hbm>>
      %dma_start3A_1354 = tpu.memref_slice %arg7[%mul3A_2] : memref<16384xf32, #tpu.memory_space<hbm>> -> memref<512xf32, #tpu.memory_space<hbm>>
      tpu.enqueue_dma source(%arg13 : memref<512xf32, #tpu.memory_space<vmem>>) target(%dma_start3A_1354 : memref<512xf32, #tpu.memory_space<hbm>>) target_semaphore(%run_scoped3A : memref<!tpu.dma_semaphore, #tpu.memory_space<semaphore_mem>>)
      %dma_wait3A_1355 = tpu.memref_slice %arg7[%mul3A_2] : memref<16384xf32, #tpu.memory_space<hbm>> -> memref<512xf32, #tpu.memory_space<hbm>>
      %dma_wait3A_1356 = tpu.memref_slice %arg7[%mul3A_2] : memref<16384xf32, #tpu.memory_space<hbm>> -> memref<512xf32, #tpu.memory_space<hbm>>
      tpu.wait_dma2 semaphore(%run_scoped3A : memref<!tpu.dma_semaphore, #tpu.memory_space<semaphore_mem>>) src(%arg13 : memref<512xf32, #tpu.memory_space<vmem>>) dst(%dma_wait3A_1356 : memref<512xf32, #tpu.memory_space<hbm>>)
      tpu.yield
    }) : () -> ()
    return
  }
}

#map = affine_map<(d0, d1) -> (0)>
module attributes {stable_mosaic.version = 14 : i64} {
  func.func @_abc_body(%arg0: i32, %arg1: i32, %arg2: memref<16384xi32, #tpu.memory_space<hbm>>, %arg3: memref<100000xf32, #tpu.memory_space<hbm>>, %arg4: memref<100000xf32, #tpu.memory_space<hbm>>, %arg5: memref<100000xf32, #tpu.memory_space<hbm>>, %arg6: memref<16384xf32, #tpu.memory_space<hbm>>, %arg7: memref<16384xf32, #tpu.memory_space<hbm>>, %arg8: memref<16384xf32, #tpu.memory_space<hbm>>, %arg9: memref<512xi32, #tpu.memory_space<vmem>>, %arg10: memref<512xf32, #tpu.memory_space<vmem>>, %arg11: memref<512xf32, #tpu.memory_space<vmem>>, %arg12: memref<512xf32, #tpu.memory_space<vmem>>, %arg13: memref<!tpu.dma_semaphore, #tpu.memory_space<semaphore_mem>>) attributes {dimension_semantics = [#tpu.dimension_semantics<core_parallel>, #tpu.dimension_semantics<subcore_parallel>], iteration_bounds = array<i64: 2, 16>, scalar_prefetch = 0 : i64, scratch_operands = 5 : i64, tpu.core_type = #tpu.core_type<sc_vector_subcore>, window_params = [{transform_indices = #map}, {transform_indices = #map}, {transform_indices = #map}, {transform_indices = #map}, {transform_indices = #map}, {transform_indices = #map}, {transform_indices = #map}]} {
    %mul3A = arith.constant 2 : i32
    %mul3A_0 = arith.muli %arg1, %mul3A : i32
    %add3A = arith.addi %mul3A_0, %arg0 : i32
    %mul3A_1 = arith.constant 512 : i32
    %mul3A_2 = arith.muli %add3A, %mul3A_1 : i32
    "tpu.region"() ({
      %run_scoped3A = tpu.sem_alloc : memref<!tpu.dma_semaphore, #tpu.memory_space<semaphore_mem>>
      %dma_start3A_13 = tpu.memref_slice %arg2[%mul3A_2] : memref<16384xi32, #tpu.memory_space<hbm>> -> memref<512xi32, #tpu.memory_space<hbm>>
      %dma_start3A_14 = tpu.memref_slice %arg2[%mul3A_2] : memref<16384xi32, #tpu.memory_space<hbm>> -> memref<512xi32, #tpu.memory_space<hbm>>
      tpu.enqueue_dma source(%dma_start3A_14 : memref<512xi32, #tpu.memory_space<hbm>>) target(%arg9 : memref<512xi32, #tpu.memory_space<vmem>>) target_semaphore(%run_scoped3A : memref<!tpu.dma_semaphore, #tpu.memory_space<semaphore_mem>>)
      %dma_wait3A_15 = tpu.memref_slice %arg2[%mul3A_2] : memref<16384xi32, #tpu.memory_space<hbm>> -> memref<512xi32, #tpu.memory_space<hbm>>
      %dma_wait3A_16 = tpu.memref_slice %arg2[%mul3A_2] : memref<16384xi32, #tpu.memory_space<hbm>> -> memref<512xi32, #tpu.memory_space<hbm>>
      tpu.wait_dma2 semaphore(%run_scoped3A : memref<!tpu.dma_semaphore, #tpu.memory_space<semaphore_mem>>) src(%dma_wait3A_16 : memref<512xi32, #tpu.memory_space<hbm>>) dst(%arg9 : memref<512xi32, #tpu.memory_space<vmem>>)
      tpu.yield
    }) : () -> ()
    %dma_start3A = arith.constant 0 : i32
    %dma_start3A_3 = tpu.memref_slice %arg3[%dma_start3A] : memref<100000xf32, #tpu.memory_space<hbm>> -> memref<100000xf32, #tpu.memory_space<hbm>>
    tpu.enqueue_indirect_dma source(%dma_start3A_3 : memref<100000xf32, #tpu.memory_space<hbm>>) target(%arg10 : memref<512xf32, #tpu.memory_space<vmem>>) offsets(%arg9 : memref<512xi32, #tpu.memory_space<vmem>>) semaphore(%arg13 : memref<!tpu.dma_semaphore, #tpu.memory_space<semaphore_mem>>)
    %dma_start3A_4 = arith.constant 0 : i32
    %dma_start3A_5 = tpu.memref_slice %arg4[%dma_start3A_4] : memref<100000xf32, #tpu.memory_space<hbm>> -> memref<100000xf32, #tpu.memory_space<hbm>>
    tpu.enqueue_indirect_dma source(%dma_start3A_5 : memref<100000xf32, #tpu.memory_space<hbm>>) target(%arg11 : memref<512xf32, #tpu.memory_space<vmem>>) offsets(%arg9 : memref<512xi32, #tpu.memory_space<vmem>>) semaphore(%arg13 : memref<!tpu.dma_semaphore, #tpu.memory_space<semaphore_mem>>)
    %dma_start3A_6 = arith.constant 0 : i32
    %dma_start3A_7 = tpu.memref_slice %arg5[%dma_start3A_6] : memref<100000xf32, #tpu.memory_space<hbm>> -> memref<100000xf32, #tpu.memory_space<hbm>>
    tpu.enqueue_indirect_dma source(%dma_start3A_7 : memref<100000xf32, #tpu.memory_space<hbm>>) target(%arg12 : memref<512xf32, #tpu.memory_space<vmem>>) offsets(%arg9 : memref<512xi32, #tpu.memory_space<vmem>>) semaphore(%arg13 : memref<!tpu.dma_semaphore, #tpu.memory_space<semaphore_mem>>)
    %dma_wait3A = arith.constant 0 : i32
    %dma_wait3A_8 = tpu.memref_slice %arg3[%dma_wait3A] : memref<100000xf32, #tpu.memory_space<hbm>> -> memref<100000xf32, #tpu.memory_space<hbm>>
    tpu.wait_indirect_dma semaphore(%arg13 : memref<!tpu.dma_semaphore, #tpu.memory_space<semaphore_mem>>) src(%dma_wait3A_8 : memref<100000xf32, #tpu.memory_space<hbm>>) dst(%arg10 : memref<512xf32, #tpu.memory_space<vmem>>)
    "tpu.region"() ({
      %run_scoped3A = tpu.sem_alloc : memref<!tpu.dma_semaphore, #tpu.memory_space<semaphore_mem>>
      %dma_start3A_13 = tpu.memref_slice %arg6[%mul3A_2] : memref<16384xf32, #tpu.memory_space<hbm>> -> memref<512xf32, #tpu.memory_space<hbm>>
      %dma_start3A_14 = tpu.memref_slice %arg6[%mul3A_2] : memref<16384xf32, #tpu.memory_space<hbm>> -> memref<512xf32, #tpu.memory_space<hbm>>
      tpu.enqueue_dma source(%arg10 : memref<512xf32, #tpu.memory_space<vmem>>) target(%dma_start3A_14 : memref<512xf32, #tpu.memory_space<hbm>>) target_semaphore(%run_scoped3A : memref<!tpu.dma_semaphore, #tpu.memory_space<semaphore_mem>>)
      %dma_wait3A_15 = tpu.memref_slice %arg6[%mul3A_2] : memref<16384xf32, #tpu.memory_space<hbm>> -> memref<512xf32, #tpu.memory_space<hbm>>
      %dma_wait3A_16 = tpu.memref_slice %arg6[%mul3A_2] : memref<16384xf32, #tpu.memory_space<hbm>> -> memref<512xf32, #tpu.memory_space<hbm>>
      tpu.wait_dma2 semaphore(%run_scoped3A : memref<!tpu.dma_semaphore, #tpu.memory_space<semaphore_mem>>) src(%arg10 : memref<512xf32, #tpu.memory_space<vmem>>) dst(%dma_wait3A_16 : memref<512xf32, #tpu.memory_space<hbm>>)
      tpu.yield
    }) : () -> ()
    %dma_wait3A_9 = arith.constant 0 : i32
    %dma_wait3A_10 = tpu.memref_slice %arg4[%dma_wait3A_9] : memref<100000xf32, #tpu.memory_space<hbm>> -> memref<100000xf32, #tpu.memory_space<hbm>>
    tpu.wait_indirect_dma semaphore(%arg13 : memref<!tpu.dma_semaphore, #tpu.memory_space<semaphore_mem>>) src(%dma_wait3A_10 : memref<100000xf32, #tpu.memory_space<hbm>>) dst(%arg11 : memref<512xf32, #tpu.memory_space<vmem>>)
    "tpu.region"() ({
      %run_scoped3A = tpu.sem_alloc : memref<!tpu.dma_semaphore, #tpu.memory_space<semaphore_mem>>
      %dma_start3A_13 = tpu.memref_slice %arg7[%mul3A_2] : memref<16384xf32, #tpu.memory_space<hbm>> -> memref<512xf32, #tpu.memory_space<hbm>>
      %dma_start3A_14 = tpu.memref_slice %arg7[%mul3A_2] : memref<16384xf32, #tpu.memory_space<hbm>> -> memref<512xf32, #tpu.memory_space<hbm>>
      tpu.enqueue_dma source(%arg11 : memref<512xf32, #tpu.memory_space<vmem>>) target(%dma_start3A_14 : memref<512xf32, #tpu.memory_space<hbm>>) target_semaphore(%run_scoped3A : memref<!tpu.dma_semaphore, #tpu.memory_space<semaphore_mem>>)
      %dma_wait3A_15 = tpu.memref_slice %arg7[%mul3A_2] : memref<16384xf32, #tpu.memory_space<hbm>> -> memref<512xf32, #tpu.memory_space<hbm>>
      %dma_wait3A_16 = tpu.memref_slice %arg7[%mul3A_2] : memref<16384xf32, #tpu.memory_space<hbm>> -> memref<512xf32, #tpu.memory_space<hbm>>
      tpu.wait_dma2 semaphore(%run_scoped3A : memref<!tpu.dma_semaphore, #tpu.memory_space<semaphore_mem>>) src(%arg11 : memref<512xf32, #tpu.memory_space<vmem>>) dst(%dma_wait3A_16 : memref<512xf32, #tpu.memory_space<hbm>>)
      tpu.yield
    }) : () -> ()
    %dma_wait3A_11 = arith.constant 0 : i32
    %dma_wait3A_12 = tpu.memref_slice %arg5[%dma_wait3A_11] : memref<100000xf32, #tpu.memory_space<hbm>> -> memref<100000xf32, #tpu.memory_space<hbm>>
    tpu.wait_indirect_dma semaphore(%arg13 : memref<!tpu.dma_semaphore, #tpu.memory_space<semaphore_mem>>) src(%dma_wait3A_12 : memref<100000xf32, #tpu.memory_space<hbm>>) dst(%arg12 : memref<512xf32, #tpu.memory_space<vmem>>)
    "tpu.region"() ({
      %run_scoped3A = tpu.sem_alloc : memref<!tpu.dma_semaphore, #tpu.memory_space<semaphore_mem>>
      %dma_start3A_13 = tpu.memref_slice %arg8[%mul3A_2] : memref<16384xf32, #tpu.memory_space<hbm>> -> memref<512xf32, #tpu.memory_space<hbm>>
      %dma_start3A_14 = tpu.memref_slice %arg8[%mul3A_2] : memref<16384xf32, #tpu.memory_space<hbm>> -> memref<512xf32, #tpu.memory_space<hbm>>
      tpu.enqueue_dma source(%arg12 : memref<512xf32, #tpu.memory_space<vmem>>) target(%dma_start3A_14 : memref<512xf32, #tpu.memory_space<hbm>>) target_semaphore(%run_scoped3A : memref<!tpu.dma_semaphore, #tpu.memory_space<semaphore_mem>>)
      %dma_wait3A_15 = tpu.memref_slice %arg8[%mul3A_2] : memref<16384xf32, #tpu.memory_space<hbm>> -> memref<512xf32, #tpu.memory_space<hbm>>
      %dma_wait3A_16 = tpu.memref_slice %arg8[%mul3A_2] : memref<16384xf32, #tpu.memory_space<hbm>> -> memref<512xf32, #tpu.memory_space<hbm>>
      tpu.wait_dma2 semaphore(%run_scoped3A : memref<!tpu.dma_semaphore, #tpu.memory_space<semaphore_mem>>) src(%arg12 : memref<512xf32, #tpu.memory_space<vmem>>) dst(%dma_wait3A_16 : memref<512xf32, #tpu.memory_space<hbm>>)
      tpu.yield
    }) : () -> ()
    return
  }
}

</mosaic_0001>

<sc_bundles>
// kernel: kernel.4.cloned.1.call-start
scs
__scs_entry_jumppad:
0x0: {  	(pc) =	sbr.rel $0x88, $3  }
0x1: {  	(tag) =	ssettag $0x0;
	lr =	simm.s32 $0x1  }
0x2: {  	[smem:$0x3F9B] =	sst lr;
	_ =	strace $0xD0000000  }
0x3: {  	_ = 	snop  }
0x4: {  	_ = 	snop  }
0x5: {  	_ = 	snop  }
0x6: {  	_ = 	snop  }
0x7: {  	_ = 	snop  }
__scs_overlays_trampoline_lowered:
0x8: {  	[smem:$0x3FAA] =	sst s0  }
0x9: {  	[smem:$0x3FAB] =	sst s1  }
0xa: {  	[smem:$0x3FAC] =	sst s2  }
0xb: {  	[smem:$0x3FAD] =	sst s3  }
0xc: {  	[smem:$0x3FAE] =	sst s4  }
0xd: {  	[smem:$0x3FAF] =	sst s5  }
0xe: {  	[smem:$0x3FB0] =	sst s6  }
0xf: {  	[smem:$0x3FB1] =	sst s7  }
0x10: {  	[smem:$0x3FB2] =	sst s8  }
0x11: {  	[smem:$0x3FB3] =	sst s9;
	s0 =	simm.s32 @!p0 $0x0  }
0x12: {  	s1 =	sld [smem:$0x3F99];
	s0 =	simm.s32 @p0 $0x1  }
0x13: {  	[smem:$0x3FB4] =	sst s0;
	s0 =	simm.s32 @!p1 $0x0  }
0x14: {  	s2 =	sld [smem:$0x3F98];
	s0 =	simm.s32 @p1 $0x1  }
0x15: {  	[smem:$0x3FB5] =	sst s0;
	s0 =	simm.s32 @!p2 $0x0  }
0x16: {  	s3 =	sld [smem:$0x3FDB];
	s0 =	simm.s32 @p2 $0x1  }
0x17: {  	s4 =	simm.s32 $0x1BF5;
	[smem:$0x3FB7] =	sst s0  }
0x18: {  	s0 =	sld [smem:$0x3F9A];
	_ =	swait.ge [sflag:s4], $0x0  }
0x19: {  	s7 =	sld [smem:$0x3F9B]  }
0x1a: {  	s8 =	sadd.s32 $0xFFFFE003, lr  }
0x1b: {  	s9 =	sadd.s32 $0xFFFFFEF7, lr;
	s5 =	simm.s32 $0xFFFFFFFF;
	p2 =	slt.u32 s8, $0xFFFFF086  }
0x1c: {  	p1 =	slt.u32 s9, $0xF7A;
	s5 =	simm.s32 @!p2 $0x0  }
0x1d: {  	s5 =	simm.s32 @p1 $0x1;
	p0 =	seq.s32 s7, s2  }
0x1e: {  	s7 =	smul.u32 @!p0 $0xF7A, s2;
	p2 =	seq.s32 @!p0 s5, $0x0  }
0x1f: {  	s9 =	smul.u32 $0xF7A, s1;
	s8 =	simm.s32 @!p0 $0x1BF5;
	p2 =	por !p2, p0  }
0x20: {  	[sflag:s8] =	ssyncset.s32 @!p0 $0xFFFFF086;
	s6 =	sadd.s32 @!p0 s3, s7;
	s7 =	simm.s32 @!p0 $0x108  }
0x21: {  	s3 =	sadd.s32 s3, s9;
	s6 =	sadd.s32 @!p0 $0x88, s6;
	s7 =	simm.s32 @p2 $0x1082  }
0x22: {  	[simem:s7], [sflag:s8] =	dma.local @!p0 [hbm:s6], $0xF7A  }
0x23: {  	s9 =	sor.u32 $0xD0000000, s2;
	s6 =	simm.s32 $0x108;
	_ =	swait.ge @!p0 [sflag:s8], $0x0  }
0x24: {  	s3 =	sadd.s32 $0x88, s3;
	s6 =	simm.s32 @!p1 $0x1082;
	[sflag:s4] =	ssyncset.s32 $0xFFFFF086  }
0x25: {  	[simem:s6], [sflag:s4] =	dma.local [hbm:s3], $0xF7A  }
0x26: {  	[smem:$0x3F9B] =	sst s1;
	(tag) =	ssettag s2;
	_ =	strace s9  }
0x27: {  	s1 =	sld [smem:$0x3FAB]  }
0x28: {  	s2 =	sld [smem:$0x3FAC]  }
0x29: {  	s4 =	sld [smem:$0x3FAE]  }
0x2a: {  	p0 =	seq.s32 s5, $0x0;
	s5 =	sld [smem:$0x3FAF]  }
0x2b: {  	s6 =	sld [smem:$0x3FB0]  }
0x2c: {  	s7 =	sld [smem:$0x3FB1]  }
0x2d: {  	s3 =	simm.s32 $0x108;
	s8 =	sld [smem:$0x3FB2]  }
0x2e: {  	s3 =	simm.s32 @!p0 $0x1082;
	s9 =	sld [smem:$0x3FB3]  }
0x2f: {  	lr =	sadd.s32 s0, s3;
	s0 =	sld [smem:$0x3FAA]  }
0x30: {  	s3 =	sld [smem:$0x3FAD]  }
0x31: {  	[smem:$0x3FB6] =	sst s10  }
0x32: {  	s10 =	sld [smem:$0x3FB4];
	_ =	sdelay $0x3  }
0x33: {  	p0 =	seq.s32 s10, $0x1;
	s10 =	sld [smem:$0x3FB6];
	_ =	sdelay $0x3  }
0x34: {  	[smem:$0x3FB6] =	sst s10  }
0x35: {  	s10 =	sld [smem:$0x3FB5];
	_ =	sdelay $0x3  }
0x36: {  	p1 =	seq.s32 s10, $0x1;
	s10 =	sld [smem:$0x3FB6];
	_ =	sdelay $0x3  }
0x37: {  	[smem:$0x3FB6] =	sst s10  }
0x38: {  	s10 =	sld [smem:$0x3FB7]  }
0x39: {  	_ = 	snop;
	(pc) =	sbr.ind lr, $3  }
0x3a: {  	_ = 	snop  }
0x3b: {  	_ = 	snop  }
0x3c: {  	p2 =	seq.s32 s10, $0x1;
	s10 =	sld [smem:$0x3FB6]  }
0x3d: {  	_ =	shalt  }
0x3e: {  	_ =	shalt  }
0x3f: {  	_ =	shalt  }
0x40: {  	_ =	shalt  }
0x41: {  	_ =	shalt  }
0x42: {  	_ =	shalt  }
0x43: {  	_ =	shalt  }
0x44: {  	_ =	shalt  }
0x45: {  	_ =	shalt  }
0x46: {  	_ =	shalt  }
0x47: {  	_ =	shalt  }
0x48: {  	_ =	shalt  }
0x49: {  	_ =	shalt  }
0x4a: {  	_ =	shalt  }
0x4b: {  	_ =	shalt  }
0x4c: {  	_ =	shalt  }
0x4d: {  	_ =	shalt  }
0x4e: {  	_ =	shalt  }
0x4f: {  	_ =	shalt  }
0x50: {  	_ =	shalt  }
0x51: {  	_ =	shalt  }
0x52: {  	_ =	shalt  }
0x53: {  	_ =	shalt  }
0x54: {  	_ =	shalt  }
0x55: {  	_ =	shalt  }
0x56: {  	_ =	shalt  }
0x57: {  	_ =	shalt  }
0x58: {  	_ =	shalt  }
0x59: {  	_ =	shalt  }
0x5a: {  	_ =	shalt  }
0x5b: {  	_ =	shalt  }
0x5c: {  	_ =	shalt  }
0x5d: {  	_ =	shalt  }
0x5e: {  	_ =	shalt  }
0x5f: {  	_ =	shalt  }
0x60: {  	_ =	shalt  }
0x61: {  	_ =	shalt  }
0x62: {  	_ =	shalt  }
0x63: {  	_ =	shalt  }
0x64: {  	_ =	shalt  }
0x65: {  	_ =	shalt  }
0x66: {  	_ =	shalt  }
0x67: {  	_ =	shalt  }
0x68: {  	_ =	shalt  }
0x69: {  	_ =	shalt  }
0x6a: {  	_ =	shalt  }
0x6b: {  	_ =	shalt  }
0x6c: {  	_ =	shalt  }
0x6d: {  	_ =	shalt  }
0x6e: {  	_ =	shalt  }
0x6f: {  	_ =	shalt  }
0x70: {  	_ =	shalt  }
0x71: {  	_ =	shalt  }
0x72: {  	_ =	shalt  }
0x73: {  	_ =	shalt  }
0x74: {  	_ =	shalt  }
0x75: {  	_ =	shalt  }
0x76: {  	_ =	shalt  }
0x77: {  	_ =	shalt  }
0x78: {  	_ =	shalt  }
0x79: {  	_ =	shalt  }
0x7a: {  	_ =	shalt  }
0x7b: {  	_ =	shalt  }
0x7c: {  	_ =	shalt  }
0x7d: {  	_ =	shalt  }
0x7e: {  	_ =	shalt  }
0x7f: {  	_ =	shalt  }
0x80: {  	_ =	shalt  }
0x81: {  	_ =	shalt  }
0x82: {  	_ =	shalt  }
0x83: {  	_ =	shalt  }
0x84: {  	_ =	shalt  }
0x85: {  	_ =	shalt  }
0x86: {  	_ =	shalt  }
0x87: {  	_ =	shalt  }
.Lfunc_end0:
.L_simem_size_0:
called_computation_lowered:
.L_overlay_start_0:
0x88: {  	s2 =	sld [smem:$0x3FD9]  }
0x89: {  	s3 =	sld [smem:$0x3FFE];
	_ =	sdelay $0x1  }
0x8a: {  	s1 =	srdreg.scid  }
0x8b: {  	s0 =	sand.u32 $0x1, s1  }
0x8c: {  	s17 =	sshll.u32 s0, $0xA;
	s2 =	sadd.s32 s3, s2  }
0x8d: {  	s2 =	sadd.s32 s2, s17  }
0x8e: {  	[smem:$0x3FC2] =	sst s2  }
0x8f: {  	_ = 	snop  }
0x90: {  	s2 =	sld [smem:$0x3FC8];
	(tm) =	ssettm $0x1  }
0x91: {  	s18 =	sld [smem:$0x3FFB];
	_ =	sdelay $0x3  }
0x92: {  	_ =	strace s18  }
0x93: {  	s3 =	sld [smem:$0x3FFC];
	_ =	sdelay $0x3  }
0x94: {  	_ =	strace s3  }
0x95: {  	s3 =	sld [smem:$0x3FFD];
	_ =	sdelay $0x3  }
0x96: {  	_ =	strace s3  }
0x97: {  	_ =	strace $0x8FFFFFFF  }
0x98: {  	s19 =	sld [smem:$0x3FDB];
	_ =	sdelay $0x1  }
0x99: {  	s4 =	simm.s32 $_scs_section_size  }
0x9a: {  	s5 =	simm.s32 $_size__tile_overlayer_lowered;
	s6 =	simm.s32 $_tile_overlayer_lowered  }
0x9b: {  	s22 =	simm.s32 $0x1BFF;
	s21 =	sshll.u32 s6, $0x1;
	s3 =	sadd.s32 s4, s19  }
0x9c: {  	s7 =	simm.s32 $0x0;
	s20 =	sshll.u32 s5, $0x1;
	s5 =	sadd.s32 s21, s3  }
0x9d: {  	[timem:s7], [sflag:s22] =	dma.local [hbm:s5], s20  }
0x9e: {  	_ =	swait.ge [sflag:s22], s20  }
0x9f: {  	s4 =	ssub.s32 $0x0, s20;
	[sflag:s22] =	ssyncset.done $0x0  }
0xa0: {  	[sflag:s22] =	ssyncadd.s32 s4;
	_ =	sdelay $0x1  }
0xa1: {  	s23 =	simm.s32 $0x1B8B  }
0xa2: {  	_ =	swait.ge [sflag:s23], $0x1  }
0xa3: {  	[sflag:s23] =	ssyncset.done $0x0  }
0xa4: {  	s25 =	simm.s32 $0x1B8E;
	s24 =	sld [smem:$0x3FFE];
	[sflag:s23] =	ssyncadd.s32 $0xFFFFFFFF  }
0xa5: {  	s26 =	simm.s32 $execute0_lowered;
	[smem:$0x3FD2] =	sst s25  }
0xa6: {  	s5 =	sshll.u32 s26, $0x1;
	_ =	strace $0x80000046;
	[dreg:$0x1] =	wrdreg $0xFFFFFFFF  }
0xa7: {  	s28 =	simm.s32 $_size_execute0_lowered;
	s3 =	sadd.s32 s3, s5;
	[dreg:$0x0] =	wrdreg $0x0  }
0xa8: {  	s5 =	sshll.u32 s28, $0x1;
	[dreg:$0x2] =	wrdreg s3  }
0xa9: {  	[dreg:$0x3] =	wrdreg s5  }
0xaa: {  	[dreg:$0x4] =	wrdreg $0xC0  }
0xab: {  	_ =	task [dreg:s7], $0x5FFFF  }
0xac: {  	[dreg:$0x1] =	wrdreg $0xFFFFFFFF  }
0xad: {  	[dreg:$0x0] =	wrdreg $0x60  }
0xae: {  	[dreg:$0x2] =	wrdreg s2  }
0xaf: {  	[dreg:$0x3] =	wrdreg s24  }
0xb0: {  	[dreg:$0x4] =	wrdreg $0x9  }
0xb1: {  	_ =	task.clear_ibuf [dreg:s7], $0x5FFFF;
	_ =	strace $0x90000046  }
0xb2: {  	s29 =	simm.s32 $0x9;
	_ =	strace $0x80000048  }
0xb3: {  	_ =	swait.ge [sflag:s29], $0x1  }
0xb4: {  	[sflag:s29] =	ssyncadd.s32 $0xFFFFFFFF  }
0xb5: {  	_ =	strace $0x90000048  }
0xb6: {  	_ =	sfence  }
0xb7: {  	s30 =	sld [smem:$0x0];
	_ =	sdelay $0x2  }
0xb8: {  	s31 =	sshll.u32 s1, $0xD;
	s1 =	sshrl.u32 s1, $0x2  }
0xb9: {  	s3 =	sand.u32 $0x4000, s31;
	s1 =	sadd.s32 s1, s30  }
0xba: {  	s0 =	sor.u32 s3, s0;
	s1 =	sshll.u32 s1, $0x11  }
0xbb: {  	s0 =	sor.u32 s1, s0  }
0xbc: {  	s0 =	sadd.s32 $0x8F2B, s0  }
0xbd: {  	[sflag:s0] =	ssyncadd.remote.s32 $0x1  }
0xbe: {  	_ =	sfence.sel $0xFFFF  }
0xbf: {  	[dreg:$0x0] =	wrdreg $0xFFFFFFFF;
	(pc) =	sbr.abs _section_cstart, $3  }
0xc0: {  	[dreg:$0x1] =	wrdreg $0xFFFFFFFF  }
0xc1: {  	_ =	task.clear_ibuf [dreg:s7], $0x2FFFF;
	_ =	strace $0x9FFFFFFF  }
0xc2: {  	(tm) =	ssettm $0x7FFFFFFF  }
0xc3: {  	_ =	shalt  }
tec
execute0_lowered:
.L_overlay_start_1:
0x0: {  	(tag) =	ssettag $0x1  }
0x1: {  	s4 =	rddreg [dreg:$0x0]  }
0x2: {  	s2 =	rddreg [dreg:$0x1];
	s3 =	srdreg.scid  }
0x3: {  	s0 =	rddreg [dreg:$0x2];
	s1 =	stileid.u32;
	s14 =	sand.u32 $0x1, s3  }
0x4: {  	s3 =	simm.s32 $0x0;
	s5 =	sshll.u32 s1, $0x7;
	s6 =	sshll.u32 s14, $0x6  }
0x5: {  	[smem:$0x7FF] =	sst s3;
	s12 =	sor.u32 s6, s5  }
0x6: {  	_ =	strace $0x80000047;
	s5 =	sadd.s32 s4, s12;
	s4 =	simm.s32 $0x2  }
0x7: {  	[tilespmem:s3], [sflag:$0x2] =	stream.linear.gather [hbm4b:s5+s3], $0x200, $0x38;
	[tilespmem:$0x800] =	vst v63  }
0x8: {  	_ =	swait.ge [sflag:s4], $0x200  }
0x9: {  	[sflag:s4] =	ssyncset.done $0x0  }
0xa: {  	s6 =	simm.s32 $0x200;
	[sflag:s4] =	ssyncadd.s32 $0xFFFFFE00  }
0xb: {  	[tilespmem:s6], [sflag:$0x1] =	stream.indirect.gather [hbm4b:s2+s6], $0x1, s3, s6, $0xb8;
	[tilespmem:$0x800] =	vst v63  }
0xc: {  	s8 =	simm.s32 $0x400;
	s7 =	sadd.s32 $0x3200, s2  }
0xd: {  	[tilespmem:s8], [sflag:$0x1] =	stream.indirect.gather [hbm4b:s7+s6], $0x1, s3, s6, $0xb8;
	[tilespmem:$0x800] =	vst v63  }
0xe: {  	s10 =	simm.s32 $0x600;
	s11 =	simm.s32 $0x1;
	s9 =	sadd.s32 $0x6400, s2  }
0xf: {  	[tilespmem:s10], [sflag:$0x1] =	stream.indirect.gather [hbm4b:s9+s6], $0x1, s3, s6, $0xb8;
	[tilespmem:$0x800] =	vst v63  }
0x10: {  	_ =	swait.ge [sflag:s11], $0x200  }
0x11: {  	s15 =	sadd.s32 s12, s2;
	[sflag:s11] =	ssyncset.done $0x0  }
0x12: {  	s12 =	sadd.s32 $0x9600, s15;
	[sflag:s11] =	ssyncadd.s32 $0xFFFFFE00  }
0x13: {  	[hbm4b:s12+s3] =	stream.linear.scatter [tilespmem:s6], [sflag:$0x2], $0x200, $0x38;
	[tilespmem:$0x800] =	vst v63  }
0x14: {  	_ =	swait.ge [sflag:s4], $0x200  }
0x15: {  	[sflag:s4] =	ssyncset.done $0x0  }
0x16: {  	[sflag:s4] =	ssyncadd.s32 $0xFFFFFE00  }
0x17: {  	_ =	swait.ge [sflag:s11], $0x200  }
0x18: {  	[sflag:s11] =	ssyncset.done $0x0  }
0x19: {  	s14 =	ssub.s32 $0x2, s14;
	s13 =	sadd.s32 $0x9E00, s15;
	[sflag:s11] =	ssyncadd.s32 $0xFFFFFE00  }
0x1a: {  	[hbm4b:s13+s3] =	stream.linear.scatter [tilespmem:s8], [sflag:$0x2], $0x200, $0x38;
	[tilespmem:$0x800] =	vst v63  }
0x1b: {  	s16 =	sshrl.u32 s14, $0x1;
	_ =	swait.ge [sflag:s4], $0x200  }
0x1c: {  	s16 =	ssub.s32 s14, s16;
	[sflag:s4] =	ssyncset.done $0x0  }
0x1d: {  	s31 =	smax.u32 s16, $0x1;
	[sflag:s4] =	ssyncadd.s32 $0xFFFFFE00  }
0x1e: {  	p0 =	sne.s32 s31, $0x1;
	_ =	swait.ge [sflag:s11], $0x200  }
.Ltmp0:
0x1f: {  	[sflag:s11] =	ssyncset.done $0x0;
	(pc) =	sbr.rel @!p0 .LBB2_2-.Ltmp0, $4  }
0x20: {  	s14 =	sadd.s32 $0xA600, s15;
	[sflag:s11] =	ssyncadd.s32 $0xFFFFFE00  }
0x21: {  	[hbm4b:s14+s3] =	stream.linear.scatter [tilespmem:s10], [sflag:$0x2], $0x200, $0x38;
	[tilespmem:$0x800] =	vst v63  }
0x22: {  	_ =	swait.ge [sflag:s4], $0x200  }
0x23: {  	s15 =	sadd.s32 $0xFFFFFFFF, s31;
	[sflag:s4] =	ssyncset.done $0x0  }
.LBB2_1:
0x24: {  	p0 =	sne.s32 s15, $0x1;
	s15 =	sadd.s32 $0xFFFFFFFF, s15;
	[sflag:s4] =	ssyncadd.s32 $0xFFFFFE00  }
0x25: {  	[tilespmem:s3], [sflag:$0x2] =	stream.linear.gather [hbm4b:s5+s3], $0x200, $0x38;
	[tilespmem:$0x800] =	vst v63  }
0x26: {  	_ =	swait.ge [sflag:s4], $0x200  }
0x27: {  	[sflag:s4] =	ssyncset.done $0x0  }
0x28: {  	[sflag:s4] =	ssyncadd.s32 $0xFFFFFE00  }
0x29: {  	[tilespmem:s6], [sflag:$0x1] =	stream.indirect.gather [hbm4b:s2+s6], $0x1, s3, s6, $0xb8;
	[tilespmem:$0x800] =	vst v63  }
0x2a: {  	_ = 	snop  }
0x2b: {  	[tilespmem:s8], [sflag:$0x1] =	stream.indirect.gather [hbm4b:s7+s6], $0x1, s3, s6, $0xb8;
	[tilespmem:$0x800] =	vst v63  }
0x2c: {  	_ = 	snop  }
0x2d: {  	[tilespmem:s10], [sflag:$0x1] =	stream.indirect.gather [hbm4b:s9+s6], $0x1, s3, s6, $0xb8;
	[tilespmem:$0x800] =	vst v63  }
0x2e: {  	_ =	swait.ge [sflag:s11], $0x200  }
0x2f: {  	[sflag:s11] =	ssyncset.done $0x0  }
0x30: {  	[sflag:s11] =	ssyncadd.s32 $0xFFFFFE00  }
0x31: {  	[hbm4b:s12+s3] =	stream.linear.scatter [tilespmem:s6], [sflag:$0x2], $0x200, $0x38;
	[tilespmem:$0x800] =	vst v63  }
0x32: {  	_ =	swait.ge [sflag:s4], $0x200  }
0x33: {  	[sflag:s4] =	ssyncset.done $0x0  }
0x34: {  	[sflag:s4] =	ssyncadd.s32 $0xFFFFFE00  }
0x35: {  	_ =	swait.ge [sflag:s11], $0x200  }
0x36: {  	[sflag:s11] =	ssyncset.done $0x0  }
0x37: {  	[sflag:s11] =	ssyncadd.s32 $0xFFFFFE00  }
0x38: {  	[hbm4b:s13+s3] =	stream.linear.scatter [tilespmem:s8], [sflag:$0x2], $0x200, $0x38;
	[tilespmem:$0x800] =	vst v63  }
0x39: {  	_ =	swait.ge [sflag:s4], $0x200  }
0x3a: {  	[sflag:s4] =	ssyncset.done $0x0  }
0x3b: {  	[sflag:s4] =	ssyncadd.s32 $0xFFFFFE00  }
0x3c: {  	_ =	swait.ge [sflag:s11], $0x200  }
.Ltmp1:
0x3d: {  	[sflag:s11] =	ssyncset.done $0x0;
	(pc) =	sbr.rel @p0 .LBB2_1-.Ltmp1, $4  }
0x3e: {  	[sflag:s11] =	ssyncadd.s32 $0xFFFFFE00  }
0x3f: {  	[hbm4b:s14+s3] =	stream.linear.scatter [tilespmem:s10], [sflag:$0x2], $0x200, $0x38;
	[tilespmem:$0x800] =	vst v63  }
0x40: {  	_ =	swait.ge [sflag:s4], $0x200  }
0x41: {  	[sflag:s4] =	ssyncset.done $0x0  }
.LBB2_2:
0x42: {  	[sflag:s4] =	ssyncadd.s32 $0xFFFFFE00  }
0x43: {  	_ =	sfence.sel $0x180000  }
0x44: {  	[bflag:$0x0] =	sbarrier.arrive $0xFFFF  }
0x45: {  	p0 =	sne.s32 s1, $0x0;
	_ =	strace $0x90000047  }
0x46: {  	s0 =	sadd.s32 @!p0 $0x100000, s0;
	[bflag:$0x2] =	sbarrier.arrive $0xFFFF  }
0x47: {  	[sflag:s0] =	ssyncadd.tile.s32 @!p0 $0x1;
	_ =	shalt  }
.Lfunc_end2:
_tile_overlayer_lowered:
.L_overlay_start_2:
0x48: {  	(tag) =	ssettag $0x2  }
0x49: {  	s0 =	rddreg [dreg:$0x0];
	s2 =	stileid.u32  }
0x4a: {  	s1 =	rddreg [dreg:$0x1];
	p0 =	sne.s32 s2, $0x0  }
0x4b: {  	s3 =	rddreg [dreg:$0x2];
	[bflag:$0x3] =	sbarrier.arrive $0xFFFF;
	s2 =	simm.s32 @!p0 $0x1C02  }
0x4c: {  	[timem:s3], [sflag:s2] =	dma.local @!p0 [hbm:s0], s1  }
0x4d: {  	s0 =	simm.s32 @!p0 $0x2  }
0x4e: {  	_ =	swait.ge @!p0 [sflag:s0], s1  }
0x4f: {  	s1 =	ssub.s32 @!p0 $0x0, s1;
	[sflag:s0] =	ssyncset.done @!p0 $0x0  }
0x50: {  	[sflag:s0] =	ssyncadd.s32 @!p0 s1  }
0x51: {  	[bflag:$0x3] =	sbarrier.arrive $0xFFFF  }
0x52: {  	_ =	shalt  }

// kernel: kernel.7.cloned.1.call-start
scs
__scs_entry_jumppad:
0x0: {  	(pc) =	sbr.rel $0x88, $3  }
0x1: {  	(tag) =	ssettag $0x0;
	lr =	simm.s32 $0x1  }
0x2: {  	[smem:$0x3F9B] =	sst lr;
	_ =	strace $0xD0000000  }
0x3: {  	_ = 	snop  }
0x4: {  	_ = 	snop  }
0x5: {  	_ = 	snop  }
0x6: {  	_ = 	snop  }
0x7: {  	_ = 	snop  }
__scs_overlays_trampoline_lowered:
0x8: {  	[smem:$0x3FAA] =	sst s0  }
0x9: {  	[smem:$0x3FAB] =	sst s1  }
0xa: {  	[smem:$0x3FAC] =	sst s2  }
0xb: {  	[smem:$0x3FAD] =	sst s3  }
0xc: {  	[smem:$0x3FAE] =	sst s4  }
0xd: {  	[smem:$0x3FAF] =	sst s5  }
0xe: {  	[smem:$0x3FB0] =	sst s6  }
0xf: {  	[smem:$0x3FB1] =	sst s7  }
0x10: {  	[smem:$0x3FB2] =	sst s8  }
0x11: {  	[smem:$0x3FB3] =	sst s9;
	s0 =	simm.s32 @!p0 $0x0  }
0x12: {  	s1 =	sld [smem:$0x3F99];
	s0 =	simm.s32 @p0 $0x1  }
0x13: {  	[smem:$0x3FB4] =	sst s0;
	s0 =	simm.s32 @!p1 $0x0  }
0x14: {  	s2 =	sld [smem:$0x3F98];
	s0 =	simm.s32 @p1 $0x1  }
0x15: {  	[smem:$0x3FB5] =	sst s0;
	s0 =	simm.s32 @!p2 $0x0  }
0x16: {  	s3 =	sld [smem:$0x3FDB];
	s0 =	simm.s32 @p2 $0x1  }
0x17: {  	s4 =	simm.s32 $0x1BF5;
	[smem:$0x3FB7] =	sst s0  }
0x18: {  	s0 =	sld [smem:$0x3F9A];
	_ =	swait.ge [sflag:s4], $0x0  }
0x19: {  	s7 =	sld [smem:$0x3F9B]  }
0x1a: {  	s8 =	sadd.s32 $0xFFFFE003, lr  }
0x1b: {  	s9 =	sadd.s32 $0xFFFFFEF7, lr;
	s5 =	simm.s32 $0xFFFFFFFF;
	p2 =	slt.u32 s8, $0xFFFFF086  }
0x1c: {  	p1 =	slt.u32 s9, $0xF7A;
	s5 =	simm.s32 @!p2 $0x0  }
0x1d: {  	s5 =	simm.s32 @p1 $0x1;
	p0 =	seq.s32 s7, s2  }
0x1e: {  	s7 =	smul.u32 @!p0 $0xF7A, s2;
	p2 =	seq.s32 @!p0 s5, $0x0  }
0x1f: {  	s9 =	smul.u32 $0xF7A, s1;
	s8 =	simm.s32 @!p0 $0x1BF5;
	p2 =	por !p2, p0  }
0x20: {  	[sflag:s8] =	ssyncset.s32 @!p0 $0xFFFFF086;
	s6 =	sadd.s32 @!p0 s3, s7;
	s7 =	simm.s32 @!p0 $0x108  }
0x21: {  	s3 =	sadd.s32 s3, s9;
	s6 =	sadd.s32 @!p0 $0x88, s6;
	s7 =	simm.s32 @p2 $0x1082  }
0x22: {  	[simem:s7], [sflag:s8] =	dma.local @!p0 [hbm:s6], $0xF7A  }
0x23: {  	s9 =	sor.u32 $0xD0000000, s2;
	s6 =	simm.s32 $0x108;
	_ =	swait.ge @!p0 [sflag:s8], $0x0  }
0x24: {  	s3 =	sadd.s32 $0x88, s3;
	s6 =	simm.s32 @!p1 $0x1082;
	[sflag:s4] =	ssyncset.s32 $0xFFFFF086  }
0x25: {  	[simem:s6], [sflag:s4] =	dma.local [hbm:s3], $0xF7A  }
0x26: {  	[smem:$0x3F9B] =	sst s1;
	(tag) =	ssettag s2;
	_ =	strace s9  }
0x27: {  	s1 =	sld [smem:$0x3FAB]  }
0x28: {  	s2 =	sld [smem:$0x3FAC]  }
0x29: {  	s4 =	sld [smem:$0x3FAE]  }
0x2a: {  	p0 =	seq.s32 s5, $0x0;
	s5 =	sld [smem:$0x3FAF]  }
0x2b: {  	s6 =	sld [smem:$0x3FB0]  }
0x2c: {  	s7 =	sld [smem:$0x3FB1]  }
0x2d: {  	s3 =	simm.s32 $0x108;
	s8 =	sld [smem:$0x3FB2]  }
0x2e: {  	s3 =	simm.s32 @!p0 $0x1082;
	s9 =	sld [smem:$0x3FB3]  }
0x2f: {  	lr =	sadd.s32 s0, s3;
	s0 =	sld [smem:$0x3FAA]  }
0x30: {  	s3 =	sld [smem:$0x3FAD]  }
0x31: {  	[smem:$0x3FB6] =	sst s10  }
0x32: {  	s10 =	sld [smem:$0x3FB4];
	_ =	sdelay $0x3  }
0x33: {  	p0 =	seq.s32 s10, $0x1;
	s10 =	sld [smem:$0x3FB6];
	_ =	sdelay $0x3  }
0x34: {  	[smem:$0x3FB6] =	sst s10  }
0x35: {  	s10 =	sld [smem:$0x3FB5];
	_ =	sdelay $0x3  }
0x36: {  	p1 =	seq.s32 s10, $0x1;
	s10 =	sld [smem:$0x3FB6];
	_ =	sdelay $0x3  }
0x37: {  	[smem:$0x3FB6] =	sst s10  }
0x38: {  	s10 =	sld [smem:$0x3FB7]  }
0x39: {  	_ = 	snop;
	(pc) =	sbr.ind lr, $3  }
0x3a: {  	_ = 	snop  }
0x3b: {  	_ = 	snop  }
0x3c: {  	p2 =	seq.s32 s10, $0x1;
	s10 =	sld [smem:$0x3FB6]  }
0x3d: {  	_ =	shalt  }
0x3e: {  	_ =	shalt  }
0x3f: {  	_ =	shalt  }
0x40: {  	_ =	shalt  }
0x41: {  	_ =	shalt  }
0x42: {  	_ =	shalt  }
0x43: {  	_ =	shalt  }
0x44: {  	_ =	shalt  }
0x45: {  	_ =	shalt  }
0x46: {  	_ =	shalt  }
0x47: {  	_ =	shalt  }
0x48: {  	_ =	shalt  }
0x49: {  	_ =	shalt  }
0x4a: {  	_ =	shalt  }
0x4b: {  	_ =	shalt  }
0x4c: {  	_ =	shalt  }
0x4d: {  	_ =	shalt  }
0x4e: {  	_ =	shalt  }
0x4f: {  	_ =	shalt  }
0x50: {  	_ =	shalt  }
0x51: {  	_ =	shalt  }
0x52: {  	_ =	shalt  }
0x53: {  	_ =	shalt  }
0x54: {  	_ =	shalt  }
0x55: {  	_ =	shalt  }
0x56: {  	_ =	shalt  }
0x57: {  	_ =	shalt  }
0x58: {  	_ =	shalt  }
0x59: {  	_ =	shalt  }
0x5a: {  	_ =	shalt  }
0x5b: {  	_ =	shalt  }
0x5c: {  	_ =	shalt  }
0x5d: {  	_ =	shalt  }
0x5e: {  	_ =	shalt  }
0x5f: {  	_ =	shalt  }
0x60: {  	_ =	shalt  }
0x61: {  	_ =	shalt  }
0x62: {  	_ =	shalt  }
0x63: {  	_ =	shalt  }
0x64: {  	_ =	shalt  }
0x65: {  	_ =	shalt  }
0x66: {  	_ =	shalt  }
0x67: {  	_ =	shalt  }
0x68: {  	_ =	shalt  }
0x69: {  	_ =	shalt  }
0x6a: {  	_ =	shalt  }
0x6b: {  	_ =	shalt  }
0x6c: {  	_ =	shalt  }
0x6d: {  	_ =	shalt  }
0x6e: {  	_ =	shalt  }
0x6f: {  	_ =	shalt  }
0x70: {  	_ =	shalt  }
0x71: {  	_ =	shalt  }
0x72: {  	_ =	shalt  }
0x73: {  	_ =	shalt  }
0x74: {  	_ =	shalt  }
0x75: {  	_ =	shalt  }
0x76: {  	_ =	shalt  }
0x77: {  	_ =	shalt  }
0x78: {  	_ =	shalt  }
0x79: {  	_ =	shalt  }
0x7a: {  	_ =	shalt  }
0x7b: {  	_ =	shalt  }
0x7c: {  	_ =	shalt  }
0x7d: {  	_ =	shalt  }
0x7e: {  	_ =	shalt  }
0x7f: {  	_ =	shalt  }
0x80: {  	_ =	shalt  }
0x81: {  	_ =	shalt  }
0x82: {  	_ =	shalt  }
0x83: {  	_ =	shalt  }
0x84: {  	_ =	shalt  }
0x85: {  	_ =	shalt  }
0x86: {  	_ =	shalt  }
0x87: {  	_ =	shalt  }
.Lfunc_end0:
.L_simem_size_0:
called_computation.1_lowered:
.L_overlay_start_0:
0x88: {  	s2 =	sld [smem:$0x3FD9]  }
0x89: {  	s3 =	sld [smem:$0x3FFE];
	_ =	sdelay $0x1  }
0x8a: {  	s1 =	srdreg.scid  }
0x8b: {  	s0 =	sand.u32 $0x1, s1  }
0x8c: {  	s17 =	sshll.u32 s0, $0xA;
	s2 =	sadd.s32 s3, s2  }
0x8d: {  	s2 =	sadd.s32 s2, s17  }
0x8e: {  	[smem:$0x3FC2] =	sst s2  }
0x8f: {  	_ = 	snop  }
0x90: {  	s2 =	sld [smem:$0x3FC9]  }
0x91: {  	s18 =	sld [smem:$0x3FD0];
	(tm) =	ssettm $0x1  }
0x92: {  	s4 =	sld [smem:$0x3FFB];
	_ =	sdelay $0x3  }
0x93: {  	_ =	strace s4  }
0x94: {  	s4 =	sld [smem:$0x3FFC];
	_ =	sdelay $0x3  }
0x95: {  	_ =	strace s4  }
0x96: {  	s4 =	sld [smem:$0x3FFD];
	_ =	sdelay $0x3  }
0x97: {  	_ =	strace s4  }
0x98: {  	_ =	strace $0x8FFFFFFF  }
0x99: {  	s19 =	sld [smem:$0x3FDB];
	_ =	sdelay $0x1  }
0x9a: {  	s5 =	simm.s32 $_scs_section_size  }
0x9b: {  	s6 =	simm.s32 $_size__tile_overlayer_lowered;
	s7 =	simm.s32 $_tile_overlayer_lowered  }
0x9c: {  	s22 =	simm.s32 $0x1BFF;
	s21 =	sshll.u32 s7, $0x1;
	s4 =	sadd.s32 s5, s19  }
0x9d: {  	s8 =	simm.s32 $0x0;
	s20 =	sshll.u32 s6, $0x1;
	s6 =	sadd.s32 s21, s4  }
0x9e: {  	[timem:s8], [sflag:s22] =	dma.local [hbm:s6], s20  }
0x9f: {  	_ =	swait.ge [sflag:s22], s20  }
0xa0: {  	s5 =	ssub.s32 $0x0, s20;
	[sflag:s22] =	ssyncset.done $0x0  }
0xa1: {  	[sflag:s22] =	ssyncadd.s32 s5;
	_ =	sdelay $0x1  }
0xa2: {  	s23 =	simm.s32 $0x1B8B  }
0xa3: {  	_ =	swait.ge [sflag:s23], $0x1  }
0xa4: {  	[sflag:s23] =	ssyncset.done $0x0  }
0xa5: {  	s25 =	simm.s32 $0x1B8E;
	s24 =	sld [smem:$0x3FFE];
	[sflag:s23] =	ssyncadd.s32 $0xFFFFFFFF  }
0xa6: {  	s26 =	simm.s32 $execute0_lowered;
	[smem:$0x3FD2] =	sst s25  }
0xa7: {  	s6 =	sshll.u32 s26, $0x1;
	_ =	strace $0x80000049;
	[dreg:$0x1] =	wrdreg $0xFFFFFFFF  }
0xa8: {  	s28 =	simm.s32 $_size_execute0_lowered;
	s4 =	sadd.s32 s4, s6;
	[dreg:$0x0] =	wrdreg $0x0  }
0xa9: {  	s6 =	sshll.u32 s28, $0x1;
	[dreg:$0x2] =	wrdreg s4  }
0xaa: {  	[dreg:$0x3] =	wrdreg s6  }
0xab: {  	[dreg:$0x4] =	wrdreg $0xC0  }
0xac: {  	_ =	task [dreg:s8], $0x5FFFF  }
0xad: {  	[dreg:$0x1] =	wrdreg $0xFFFFFFFF  }
0xae: {  	[dreg:$0x0] =	wrdreg $0x60  }
0xaf: {  	[dreg:$0x2] =	wrdreg s2  }
0xb0: {  	[dreg:$0x3] =	wrdreg s24  }
0xb1: {  	[dreg:$0x4] =	wrdreg s18  }
0xb2: {  	[dreg:$0x5] =	wrdreg $0x9  }
0xb3: {  	_ =	task.clear_ibuf [dreg:s8], $0x6FFFF;
	_ =	strace $0x90000049  }
0xb4: {  	s29 =	simm.s32 $0x9;
	_ =	strace $0x8000004B  }
0xb5: {  	_ =	swait.ge [sflag:s29], $0x1  }
0xb6: {  	[sflag:s29] =	ssyncadd.s32 $0xFFFFFFFF  }
0xb7: {  	_ =	strace $0x9000004B  }
0xb8: {  	_ =	sfence  }
0xb9: {  	s30 =	sld [smem:$0x0];
	_ =	sdelay $0x2  }
0xba: {  	s31 =	sshll.u32 s1, $0xD;
	s1 =	sshrl.u32 s1, $0x2  }
0xbb: {  	s3 =	sand.u32 $0x4000, s31;
	s1 =	sadd.s32 s1, s30  }
0xbc: {  	s0 =	sor.u32 s3, s0;
	s1 =	sshll.u32 s1, $0x11  }
0xbd: {  	s0 =	sor.u32 s1, s0  }
0xbe: {  	s0 =	sadd.s32 $0x8F2B, s0  }
0xbf: {  	[sflag:s0] =	ssyncadd.remote.s32 $0x1  }
0xc0: {  	_ =	sfence.sel $0xFFFF  }
0xc1: {  	[dreg:$0x0] =	wrdreg $0xFFFFFFFF;
	(pc) =	sbr.abs _section_cstart, $3  }
0xc2: {  	[dreg:$0x1] =	wrdreg $0xFFFFFFFF  }
0xc3: {  	_ =	task.clear_ibuf [dreg:s8], $0x2FFFF;
	_ =	strace $0x9FFFFFFF  }
0xc4: {  	(tm) =	ssettm $0x7FFFFFFF  }
0xc5: {  	_ =	shalt  }
tec
execute0_lowered:
.L_overlay_start_1:
0x0: {  	(tag) =	ssettag $0x1  }
0x1: {  	s4 =	rddreg [dreg:$0x0]  }
0x2: {  	s5 =	rddreg [dreg:$0x1]  }
0x3: {  	s8 =	rddreg [dreg:$0x2]  }
0x4: {  	s0 =	rddreg [dreg:$0x3];
	s3 =	srdreg.scid  }
0x5: {  	s2 =	simm.s32 $0x0;
	s1 =	stileid.u32;
	s11 =	simm.s32 $0x200  }
0x6: {  	s12 =	simm.s32 $0x400;
	s13 =	simm.s32 $0x600;
	s14 =	simm.s32 $0x800  }
0x7: {  	s15 =	simm.s32 $0x1;
	s16 =	simm.s32 $0x2;
	s17 =	simm.s32 $0xA00  }
0x8: {  	s3 =	sand.u32 $0x1, s3;
	[smem:$0x7FF] =	sst s2;
	s6 =	sshll.u32 s1, $0x7  }
0x9: {  	s7 =	sshll.u32 s3, $0x6;
	_ =	strace $0x8000004A;
	s30 =	ssub.s32 $0x2, s3  }
0xa: {  	s3 =	sadd.s32 $0xAE00, s5;
	s9 =	sor.u32 s7, s6;
	s31 =	sshrl.u32 s30, $0x1  }
0xb: {  	s7 =	sadd.s32 s9, s5;
	s10 =	ssub.s32 s30, s31;
	s4 =	sadd.s32 s4, s9  }
0xc: {  	s8 =	sadd.s32 s8, s9;
	s5 =	sadd.s32 $0x9600, s7;
	s6 =	sadd.s32 $0x9E00, s7  }
0xd: {  	s7 =	sadd.s32 $0xA600, s7;
	s9 =	smax.u32 s10, $0x1;
	s10 =	simm.s32 $0x3  }
.LBB2_1:
0xe: {  	[tilespmem:s2], [sflag:$0x3] =	stream.linear.gather [hbm4b:s4+s2], $0x200, $0x38;
	[tilespmem:$0xC00] =	vst v63  }
0xf: {  	_ =	swait.ge [sflag:s10], $0x200  }
0x10: {  	[sflag:s10] =	ssyncset.done $0x0  }
0x11: {  	[sflag:s10] =	ssyncadd.s32 $0xFFFFFE00  }
0x12: {  	[tilespmem:s11], [sflag:$0x2] =	stream.indirect.gather [hbm4b:s3+s11], $0x1, s2, s11, $0xb8;
	[tilespmem:$0xC00] =	vst v63  }
0x13: {  	_ = 	snop  }
0x14: {  	[tilespmem:s12], [sflag:$0x1] =	stream.linear.gather [hbm4b:s5+s2], $0x200, $0x38;
	[tilespmem:$0xC00] =	vst v63  }
0x15: {  	_ = 	snop  }
0x16: {  	[tilespmem:s13], [sflag:$0x1] =	stream.linear.gather [hbm4b:s6+s2], $0x200, $0x38;
	[tilespmem:$0xC00] =	vst v63  }
0x17: {  	_ = 	snop  }
0x18: {  	[tilespmem:s14], [sflag:$0x1] =	stream.linear.gather [hbm4b:s7+s2], $0x200, $0x38;
	[tilespmem:$0xC00] =	vst v63  }
0x19: {  	_ =	swait.ge [sflag:s15], $0x200  }
0x1a: {  	[sflag:s15] =	ssyncset.done $0x0  }
0x1b: {  	[sflag:s15] =	ssyncadd.s32 $0xFFFFFE00  }
0x1c: {  	_ =	swait.ge [sflag:s15], $0x200  }
0x1d: {  	[sflag:s15] =	ssyncset.done $0x0  }
0x1e: {  	[sflag:s15] =	ssyncadd.s32 $0xFFFFFE00  }
0x1f: {  	_ =	swait.ge [sflag:s15], $0x200  }
0x20: {  	[sflag:s15] =	ssyncset.done $0x0  }
0x21: {  	[sflag:s15] =	ssyncadd.s32 $0xFFFFFE00  }
0x22: {  	_ =	swait.ge [sflag:s16], $0x200  }
0x23: {  	[sflag:s16] =	ssyncset.done $0x0  }
0x24: {  	[sflag:s16] =	ssyncadd.s32 $0xFFFFFE00  }
0x25: {  	v0 =	vld [tilespmem:$0x200]  }
0x26: {  	v1 =	vld [tilespmem:$0x400]  }
0x27: {  	v2 =	vld [tilespmem:$0x600];
	_ =	sdelay $0x3  }
0x28: {  	v1 =	vmax.f32 v1, $1.000000050e-03  }
0x29: {  	v0 =	vsub.f32 v0, v2;
	v1 =	vmul.f32 $-1.702000020e+00, v1;
	_ =	sdelay $0x1  }
0x2a: {  	v0 =	vmul.f32 v0, v1;
	_ =	sdelay $0x1  }
0x2b: {  	v0 =	vmul.f32 $1.442695020e+00, v0;
	_ =	sdelay $0x1  }
0x2c: {  	v41 =	vld [tilespmem:$0x210];
	(erf) = vpow2.f32 v0  }
0x2d: {  	v42 =	vld [tilespmem:$0x410]  }
0x2e: {  	v43 =	vld [tilespmem:$0x610];
	_ =	sdelay $0x3  }
0x2f: {  	v1 =	vmax.f32 v42, $1.000000050e-03  }
0x30: {  	v1 =	vmul.f32 $-1.702000020e+00, v1;
	v0 =	vsub.f32 v41, v43;
	_ =	sdelay $0x1  }
0x31: {  	v0 =	vmul.f32 v0, v1;
	v44 =	vpop (erf)  }
0x32: {  	v45 =	vadd.f32 $1.000000000e+00, v44  }
0x33: {  	v0 =	vmul.f32 $1.442695020e+00, v0  }
0x34: {  	(erf) = vrcp.f32 v45  }
0x35: {  	v47 =	vld [tilespmem:$0x420];
	(erf) = vpow2.f32 v0  }
0x36: {  	v46 =	vld [tilespmem:$0x220]  }
0x37: {  	v48 =	vld [tilespmem:$0x620];
	_ =	sdelay $0x2  }
0x38: {  	v1 =	vmax.f32 v47, $1.000000050e-03;
	_ =	sdelay $0x1  }
0x39: {  	v3 =	vmul.f32 $-1.702000020e+00, v1;
	v0 =	vsub.f32 v46, v48  }
0x3a: {  	v1 =	vpop (erf)  }
0x3b: {  	v0 =	vmul.f32 v0, v3;
	v49 =	vpop (erf)  }
0x3c: {  	v2 =	vadd.f32 $1.000000000e+00, v49  }
0x3d: {  	v0 =	vmul.f32 $1.442695020e+00, v0  }
0x3e: {  	(erf) = vrcp.f32 v2  }
0x3f: {  	v50 =	vld [tilespmem:$0x230];
	(erf) = vpow2.f32 v0  }
0x40: {  	v51 =	vld [tilespmem:$0x430]  }
0x41: {  	v52 =	vld [tilespmem:$0x630];
	_ =	sdelay $0x3  }
0x42: {  	v2 =	vmax.f32 v51, $1.000000050e-03  }
0x43: {  	v3 =	vsub.f32 v50, v52;
	v2 =	vmul.f32 $-1.702000020e+00, v2  }
0x44: {  	v0 =	vpop (erf)  }
0x45: {  	v2 =	vmul.f32 v3, v2;
	v4 =	vpop (erf)  }
0x46: {  	v53 =	vadd.f32 $1.000000000e+00, v4  }
0x47: {  	v2 =	vmul.f32 $1.442695020e+00, v2  }
0x48: {  	(erf) = vrcp.f32 v53  }
0x49: {  	v54 =	vld [tilespmem:$0x240];
	(erf) = vpow2.f32 v2  }
0x4a: {  	v55 =	vld [tilespmem:$0x440]  }
0x4b: {  	v56 =	vld [tilespmem:$0x640];
	_ =	sdelay $0x3  }
0x4c: {  	v3 =	vmax.f32 v55, $1.000000050e-03  }
0x4d: {  	v3 =	vmul.f32 $-1.702000020e+00, v3;
	v4 =	vsub.f32 v54, v56  }
0x4e: {  	v2 =	vpop (erf)  }
0x4f: {  	v3 =	vmul.f32 v4, v3;
	v5 =	vpop (erf)  }
0x50: {  	v57 =	vadd.f32 $1.000000000e+00, v5  }
0x51: {  	v3 =	vmul.f32 $1.442695020e+00, v3  }
0x52: {  	(erf) = vrcp.f32 v57  }
0x53: {  	v58 =	vld [tilespmem:$0x250];
	(erf) = vpow2.f32 v3  }
0x54: {  	v59 =	vld [tilespmem:$0x450]  }
0x55: {  	v60 =	vld [tilespmem:$0x650];
	_ =	sdelay $0x3  }
0x56: {  	v4 =	vmax.f32 v59, $1.000000050e-03  }
0x57: {  	v4 =	vmul.f32 $-1.702000020e+00, v4;
	v5 =	vsub.f32 v58, v60  }
0x58: {  	v3 =	vpop (erf)  }
0x59: {  	v4 =	vmul.f32 v5, v4;
	v6 =	vpop (erf)  }
0x5a: {  	v61 =	vadd.f32 $1.000000000e+00, v6  }
0x5b: {  	v4 =	vmul.f32 $1.442695020e+00, v4  }
0x5c: {  	(erf) = vrcp.f32 v61  }
0x5d: {  	v62 =	vld [tilespmem:$0x260];
	(erf) = vpow2.f32 v4  }
0x5e: {  	v63 =	vld [tilespmem:$0x460]  }
0x5f: {  	v9 =	vld [tilespmem:$0x660];
	_ =	sdelay $0x3  }
0x60: {  	v5 =	vmax.f32 v63, $1.000000050e-03  }
0x61: {  	v5 =	vmul.f32 $-1.702000020e+00, v5;
	v6 =	vsub.f32 v62, v9  }
0x62: {  	v4 =	vpop (erf)  }
0x63: {  	v5 =	vmul.f32 v6, v5;
	v7 =	vpop (erf)  }
0x64: {  	v10 =	vadd.f32 $1.000000000e+00, v7  }
0x65: {  	v5 =	vmul.f32 $1.442695020e+00, v5  }
0x66: {  	(erf) = vrcp.f32 v10  }
0x67: {  	v11 =	vld [tilespmem:$0x270];
	(erf) = vpow2.f32 v5  }
0x68: {  	v12 =	vld [tilespmem:$0x470]  }
0x69: {  	v13 =	vld [tilespmem:$0x670];
	_ =	sdelay $0x3  }
0x6a: {  	v6 =	vmax.f32 v12, $1.000000050e-03  }
0x6b: {  	v6 =	vmul.f32 $-1.702000020e+00, v6;
	v7 =	vsub.f32 v11, v13  }
0x6c: {  	v5 =	vpop (erf)  }
0x6d: {  	v6 =	vmul.f32 v7, v6;
	v8 =	vpop (erf)  }
0x6e: {  	v14 =	vadd.f32 $1.000000000e+00, v8  }
0x6f: {  	v6 =	vmul.f32 $1.442695020e+00, v6  }
0x70: {  	(erf) = vrcp.f32 v14  }
0x71: {  	v16 =	vld [tilespmem:$0x480];
	(erf) = vpow2.f32 v6  }
0x72: {  	v15 =	vld [tilespmem:$0x280]  }
0x73: {  	v17 =	vld [tilespmem:$0x680];
	_ =	sdelay $0x2  }
0x74: {  	v7 =	vmax.f32 v16, $1.000000050e-03;
	_ =	sdelay $0x1  }
0x75: {  	v9 =	vmul.f32 $-1.702000020e+00, v7;
	v6 =	vsub.f32 v15, v17  }
0x76: {  	v7 =	vpop (erf)  }
0x77: {  	v6 =	vmul.f32 v6, v9;
	v18 =	vpop (erf)  }
0x78: {  	v8 =	vadd.f32 $1.000000000e+00, v18  }
0x79: {  	v6 =	vmul.f32 $1.442695020e+00, v6  }
0x7a: {  	(erf) = vrcp.f32 v8  }
0x7b: {  	v19 =	vld [tilespmem:$0x290];
	(erf) = vpow2.f32 v6  }
0x7c: {  	v20 =	vld [tilespmem:$0x490]  }
0x7d: {  	v21 =	vld [tilespmem:$0x690];
	_ =	sdelay $0x3  }
0x7e: {  	v8 =	vmax.f32 v20, $1.000000050e-03  }
0x7f: {  	v9 =	vsub.f32 v19, v21;
	v8 =	vmul.f32 $-1.702000020e+00, v8  }
0x80: {  	v6 =	vpop (erf)  }
0x81: {  	v8 =	vmul.f32 v9, v8;
	v10 =	vpop (erf)  }
0x82: {  	v22 =	vadd.f32 $1.000000000e+00, v10  }
0x83: {  	v8 =	vmul.f32 $1.442695020e+00, v8  }
0x84: {  	(erf) = vrcp.f32 v22  }
0x85: {  	v23 =	vld [tilespmem:$0x2A0];
	(erf) = vpow2.f32 v8  }
0x86: {  	v24 =	vld [tilespmem:$0x4A0]  }
0x87: {  	v25 =	vld [tilespmem:$0x6A0];
	_ =	sdelay $0x3  }
0x88: {  	v9 =	vmax.f32 v24, $1.000000050e-03  }
0x89: {  	v9 =	vmul.f32 $-1.702000020e+00, v9;
	v10 =	vsub.f32 v23, v25  }
0x8a: {  	v8 =	vpop (erf)  }
0x8b: {  	v9 =	vmul.f32 v10, v9;
	v11 =	vpop (erf)  }
0x8c: {  	v26 =	vadd.f32 $1.000000000e+00, v11  }
0x8d: {  	v9 =	vmul.f32 $1.442695020e+00, v9  }
0x8e: {  	(erf) = vrcp.f32 v26  }
0x8f: {  	v27 =	vld [tilespmem:$0x2B0];
	(erf) = vpow2.f32 v9  }
0x90: {  	v28 =	vld [tilespmem:$0x4B0]  }
0x91: {  	v29 =	vld [tilespmem:$0x6B0];
	_ =	sdelay $0x3  }
0x92: {  	v10 =	vmax.f32 v28, $1.000000050e-03  }
0x93: {  	v10 =	vmul.f32 $-1.702000020e+00, v10;
	v11 =	vsub.f32 v27, v29  }
0x94: {  	v9 =	vpop (erf)  }
0x95: {  	v10 =	vmul.f32 v11, v10;
	v12 =	vpop (erf)  }
0x96: {  	v30 =	vadd.f32 $1.000000000e+00, v12  }
0x97: {  	v10 =	vmul.f32 $1.442695020e+00, v10  }
0x98: {  	(erf) = vrcp.f32 v30  }
0x99: {  	v32 =	vld [tilespmem:$0x4C0];
	(erf) = vpow2.f32 v10  }
0x9a: {  	v31 =	vld [tilespmem:$0x2C0]  }
0x9b: {  	v33 =	vld [tilespmem:$0x6C0];
	_ =	sdelay $0x2  }
0x9c: {  	v11 =	vmax.f32 v32, $1.000000050e-03;
	_ =	sdelay $0x1  }
0x9d: {  	v13 =	vmul.f32 $-1.702000020e+00, v11;
	v10 =	vsub.f32 v31, v33  }
0x9e: {  	v11 =	vpop (erf)  }
0x9f: {  	v10 =	vmul.f32 v10, v13;
	v34 =	vpop (erf)  }
0xa0: {  	v12 =	vadd.f32 $1.000000000e+00, v34  }
0xa1: {  	v10 =	vmul.f32 $1.442695020e+00, v10  }
0xa2: {  	(erf) = vrcp.f32 v12  }
0xa3: {  	v36 =	vld [tilespmem:$0x4D0];
	(erf) = vpow2.f32 v10  }
0xa4: {  	v35 =	vld [tilespmem:$0x2D0]  }
0xa5: {  	v37 =	vld [tilespmem:$0x6D0];
	_ =	sdelay $0x2  }
0xa6: {  	v12 =	vmax.f32 v36, $1.000000050e-03;
	_ =	sdelay $0x1  }
0xa7: {  	v14 =	vmul.f32 $-1.702000020e+00, v12;
	v10 =	vsub.f32 v35, v37  }
0xa8: {  	v12 =	vpop (erf)  }
0xa9: {  	v10 =	vmul.f32 v10, v14;
	v38 =	vpop (erf)  }
0xaa: {  	v13 =	vadd.f32 $1.000000000e+00, v38  }
0xab: {  	v10 =	vmul.f32 $1.442695020e+00, v10  }
0xac: {  	(erf) = vrcp.f32 v13  }
0xad: {  	v39 =	vld [tilespmem:$0x2E0];
	(erf) = vpow2.f32 v10  }
0xae: {  	v40 =	vld [tilespmem:$0x4E0]  }
0xaf: {  	v41 =	vld [tilespmem:$0x6E0];
	_ =	sdelay $0x3  }
0xb0: {  	v13 =	vmax.f32 v40, $1.000000050e-03  }
0xb1: {  	v14 =	vsub.f32 v39, v41;
	v13 =	vmul.f32 $-1.702000020e+00, v13  }
0xb2: {  	v10 =	vpop (erf)  }
0xb3: {  	v13 =	vmul.f32 v14, v13;
	v15 =	vpop (erf)  }
0xb4: {  	v42 =	vadd.f32 $1.000000000e+00, v15  }
0xb5: {  	v13 =	vmul.f32 $1.442695020e+00, v13  }
0xb6: {  	(erf) = vrcp.f32 v42  }
0xb7: {  	v43 =	vld [tilespmem:$0x2F0];
	(erf) = vpow2.f32 v13  }
0xb8: {  	v44 =	vld [tilespmem:$0x4F0]  }
0xb9: {  	v45 =	vld [tilespmem:$0x6F0];
	_ =	sdelay $0x3  }
0xba: {  	v14 =	vmax.f32 v44, $1.000000050e-03  }
0xbb: {  	v14 =	vmul.f32 $-1.702000020e+00, v14;
	v15 =	vsub.f32 v43, v45  }
0xbc: {  	v13 =	vpop (erf)  }
0xbd: {  	v14 =	vmul.f32 v15, v14;
	v16 =	vpop (erf)  }
0xbe: {  	v46 =	vadd.f32 $1.000000000e+00, v16  }
0xbf: {  	v14 =	vmul.f32 $1.442695020e+00, v14  }
0xc0: {  	(erf) = vrcp.f32 v46  }
0xc1: {  	v47 =	vld [tilespmem:$0x300];
	(erf) = vpow2.f32 v14  }
0xc2: {  	v48 =	vld [tilespmem:$0x500]  }
0xc3: {  	v49 =	vld [tilespmem:$0x700];
	_ =	sdelay $0x3  }
0xc4: {  	v15 =	vmax.f32 v48, $1.000000050e-03  }
0xc5: {  	v15 =	vmul.f32 $-1.702000020e+00, v15;
	v16 =	vsub.f32 v47, v49  }
0xc6: {  	v14 =	vpop (erf)  }
0xc7: {  	v15 =	vmul.f32 v16, v15;
	v17 =	vpop (erf)  }
0xc8: {  	v50 =	vadd.f32 $1.000000000e+00, v17  }
0xc9: {  	v15 =	vmul.f32 $1.442695020e+00, v15  }
0xca: {  	(erf) = vrcp.f32 v50  }
0xcb: {  	v52 =	vld [tilespmem:$0x510];
	(erf) = vpow2.f32 v15  }
0xcc: {  	v51 =	vld [tilespmem:$0x310]  }
0xcd: {  	v53 =	vld [tilespmem:$0x710];
	_ =	sdelay $0x2  }
0xce: {  	v16 =	vmax.f32 v52, $1.000000050e-03;
	_ =	sdelay $0x1  }
0xcf: {  	v18 =	vmul.f32 $-1.702000020e+00, v16;
	v15 =	vsub.f32 v51, v53  }
0xd0: {  	v16 =	vpop (erf)  }
0xd1: {  	v15 =	vmul.f32 v15, v18;
	v54 =	vpop (erf)  }
0xd2: {  	v17 =	vadd.f32 $1.000000000e+00, v54  }
0xd3: {  	v15 =	vmul.f32 $1.442695020e+00, v15  }
0xd4: {  	(erf) = vrcp.f32 v17  }
0xd5: {  	v56 =	vld [tilespmem:$0x520];
	(erf) = vpow2.f32 v15  }
0xd6: {  	v55 =	vld [tilespmem:$0x320]  }
0xd7: {  	v57 =	vld [tilespmem:$0x720];
	_ =	sdelay $0x2  }
0xd8: {  	v17 =	vmax.f32 v56, $1.000000050e-03;
	_ =	sdelay $0x1  }
0xd9: {  	v19 =	vmul.f32 $-1.702000020e+00, v17;
	v15 =	vsub.f32 v55, v57  }
0xda: {  	v17 =	vpop (erf)  }
0xdb: {  	v15 =	vmul.f32 v15, v19;
	v58 =	vpop (erf)  }
0xdc: {  	v18 =	vadd.f32 $1.000000000e+00, v58  }
0xdd: {  	v15 =	vmul.f32 $1.442695020e+00, v15  }
0xde: {  	(erf) = vrcp.f32 v18  }
0xdf: {  	v59 =	vld [tilespmem:$0x330];
	(erf) = vpow2.f32 v15  }
0xe0: {  	v60 =	vld [tilespmem:$0x530]  }
0xe1: {  	v61 =	vld [tilespmem:$0x730];
	_ =	sdelay $0x3  }
0xe2: {  	v18 =	vmax.f32 v60, $1.000000050e-03  }
0xe3: {  	v18 =	vmul.f32 $-1.702000020e+00, v18;
	v15 =	vsub.f32 v59, v61  }
0xe4: {  	v19 =	vpop (erf)  }
0xe5: {  	v15 =	vmul.f32 v15, v18;
	v20 =	vpop (erf)  }
0xe6: {  	v62 =	vadd.f32 $1.000000000e+00, v20  }
0xe7: {  	v15 =	vmul.f32 $1.442695020e+00, v15  }
0xe8: {  	(erf) = vrcp.f32 v62  }
0xe9: {  	v63 =	vld [tilespmem:$0x340];
	(erf) = vpow2.f32 v15  }
0xea: {  	v24 =	vld [tilespmem:$0x540]  }
0xeb: {  	v25 =	vld [tilespmem:$0x740];
	_ =	sdelay $0x3  }
0xec: {  	v18 =	vmax.f32 v24, $1.000000050e-03  }
0xed: {  	v18 =	vmul.f32 $-1.702000020e+00, v18;
	v15 =	vsub.f32 v63, v25  }
0xee: {  	v20 =	vpop (erf)  }
0xef: {  	v15 =	vmul.f32 v15, v18;
	v21 =	vpop (erf)  }
0xf0: {  	v26 =	vadd.f32 $1.000000000e+00, v21  }
0xf1: {  	v15 =	vmul.f32 $1.442695020e+00, v15  }
0xf2: {  	(erf) = vrcp.f32 v26  }
0xf3: {  	v28 =	vld [tilespmem:$0x550];
	(erf) = vpow2.f32 v15  }
0xf4: {  	v27 =	vld [tilespmem:$0x350]  }
0xf5: {  	v29 =	vld [tilespmem:$0x750];
	_ =	sdelay $0x3  }
0xf6: {  	v18 =	vmax.f32 v28, $1.000000050e-03  }
0xf7: {  	v18 =	vmul.f32 $-1.702000020e+00, v18;
	v21 =	vsub.f32 v27, v29  }
0xf8: {  	v15 =	vpop (erf)  }
0xf9: {  	v18 =	vmul.f32 v21, v18;
	v22 =	vpop (erf)  }
0xfa: {  	v30 =	vadd.f32 $1.000000000e+00, v22  }
0xfb: {  	v18 =	vmul.f32 $1.442695020e+00, v18  }
0xfc: {  	(erf) = vrcp.f32 v30  }
0xfd: {  	v32 =	vld [tilespmem:$0x560];
	(erf) = vpow2.f32 v18  }
0xfe: {  	v31 =	vld [tilespmem:$0x360]  }
0xff: {  	v33 =	vld [tilespmem:$0x760];
	_ =	sdelay $0x3  }
0x100: {  	v21 =	vmax.f32 v32, $1.000000050e-03  }
0x101: {  	v21 =	vmul.f32 $-1.702000020e+00, v21;
	v22 =	vsub.f32 v31, v33  }
0x102: {  	v18 =	vpop (erf)  }
0x103: {  	v21 =	vmul.f32 v22, v21;
	v23 =	vpop (erf)  }
0x104: {  	v34 =	vadd.f32 $1.000000000e+00, v23  }
0x105: {  	v21 =	vmul.f32 $1.442695020e+00, v21  }
0x106: {  	(erf) = vrcp.f32 v34  }
0x107: {  	v36 =	vld [tilespmem:$0x570];
	(erf) = vpow2.f32 v21  }
0x108: {  	v35 =	vld [tilespmem:$0x370]  }
0x109: {  	v37 =	vld [tilespmem:$0x770];
	_ =	sdelay $0x3  }
0x10a: {  	v22 =	vmax.f32 v36, $1.000000050e-03  }
0x10b: {  	v22 =	vmul.f32 $-1.702000020e+00, v22;
	v23 =	vsub.f32 v35, v37  }
0x10c: {  	v21 =	vpop (erf)  }
0x10d: {  	v22 =	vmul.f32 v23, v22;
	v24 =	vpop (erf)  }
0x10e: {  	v38 =	vadd.f32 $1.000000000e+00, v24  }
0x10f: {  	v22 =	vmul.f32 $1.442695020e+00, v22  }
0x110: {  	(erf) = vrcp.f32 v38  }
0x111: {  	v40 =	vld [tilespmem:$0x580];
	(erf) = vpow2.f32 v22  }
0x112: {  	v39 =	vld [tilespmem:$0x380]  }
0x113: {  	v41 =	vld [tilespmem:$0x780];
	_ =	sdelay $0x2  }
0x114: {  	v23 =	vmax.f32 v40, $1.000000050e-03;
	_ =	sdelay $0x1  }
0x115: {  	v25 =	vmul.f32 $-1.702000020e+00, v23;
	v22 =	vsub.f32 v39, v41  }
0x116: {  	v23 =	vpop (erf)  }
0x117: {  	v22 =	vmul.f32 v22, v25;
	v42 =	vpop (erf)  }
0x118: {  	v24 =	vadd.f32 $1.000000000e+00, v42  }
0x119: {  	v22 =	vmul.f32 $1.442695020e+00, v22  }
0x11a: {  	(erf) = vrcp.f32 v24  }
0x11b: {  	v44 =	vld [tilespmem:$0x590];
	(erf) = vpow2.f32 v22  }
0x11c: {  	v43 =	vld [tilespmem:$0x390]  }
0x11d: {  	v45 =	vld [tilespmem:$0x790];
	_ =	sdelay $0x3  }
0x11e: {  	v24 =	vmax.f32 v44, $1.000000050e-03  }
0x11f: {  	v24 =	vmul.f32 $-1.702000020e+00, v24;
	v22 =	vsub.f32 v43, v45  }
0x120: {  	v25 =	vpop (erf)  }
0x121: {  	v22 =	vmul.f32 v22, v24;
	v26 =	vpop (erf)  }
0x122: {  	v46 =	vadd.f32 $1.000000000e+00, v26  }
0x123: {  	v22 =	vmul.f32 $1.442695020e+00, v22  }
0x124: {  	(erf) = vrcp.f32 v46  }
0x125: {  	v48 =	vld [tilespmem:$0x5A0];
	(erf) = vpow2.f32 v22  }
0x126: {  	v47 =	vld [tilespmem:$0x3A0]  }
0x127: {  	v49 =	vld [tilespmem:$0x7A0];
	_ =	sdelay $0x3  }
0x128: {  	v24 =	vmax.f32 v48, $1.000000050e-03  }
0x129: {  	v24 =	vmul.f32 $-1.702000020e+00, v24;
	v26 =	vsub.f32 v47, v49  }
0x12a: {  	v22 =	vpop (erf)  }
0x12b: {  	v24 =	vmul.f32 v26, v24;
	v27 =	vpop (erf)  }
0x12c: {  	v50 =	vadd.f32 $1.000000000e+00, v27  }
0x12d: {  	v24 =	vmul.f32 $1.442695020e+00, v24  }
0x12e: {  	(erf) = vrcp.f32 v50  }
0x12f: {  	v52 =	vld [tilespmem:$0x5B0];
	(erf) = vpow2.f32 v24  }
0x130: {  	v51 =	vld [tilespmem:$0x3B0]  }
0x131: {  	v53 =	vld [tilespmem:$0x7B0];
	_ =	sdelay $0x3  }
0x132: {  	v26 =	vmax.f32 v52, $1.000000050e-03  }
0x133: {  	v26 =	vmul.f32 $-1.702000020e+00, v26;
	v27 =	vsub.f32 v51, v53  }
0x134: {  	v24 =	vpop (erf)  }
0x135: {  	v26 =	vmul.f32 v27, v26;
	v28 =	vpop (erf)  }
0x136: {  	v54 =	vadd.f32 $1.000000000e+00, v28  }
0x137: {  	v26 =	vmul.f32 $1.442695020e+00, v26  }
0x138: {  	(erf) = vrcp.f32 v54  }
0x139: {  	v56 =	vld [tilespmem:$0x3C0];
	(erf) = vpow2.f32 v26  }
0x13a: {  	v57 =	vld [tilespmem:$0x5C0]  }
0x13b: {  	v29 =	vld [tilespmem:$0x7C0];
	_ =	sdelay $0x2  }
0x13c: {  	v30 =	vld [tilespmem:$0x810]  }
0x13d: {  	v27 =	vmax.f32 v57, $1.000000050e-03  }
0x13e: {  	v55 =	vld [tilespmem:$0x800];
	v29 =	vsub.f32 v56, v29;
	v27 =	vmul.f32 $-1.702000020e+00, v27  }
0x13f: {  	v31 =	vld [tilespmem:$0x820];
	v26 =	vpop (erf)  }
0x140: {  	v33 =	vld [tilespmem:$0x830];
	v27 =	vmul.f32 v29, v27;
	v34 =	vpop (erf)  }
0x141: {  	v58 =	vld [tilespmem:$0x840];
	v30 =	vmax.f32 v30, $0.0e+00;
	v34 =	vadd.f32 $1.000000000e+00, v34  }
0x142: {  	v59 =	vld [tilespmem:$0x850];
	v30 =	vmin.f32 v30, $1.000000000e+00;
	v27 =	vmul.f32 $1.442695020e+00, v27  }
0x143: {  	v60 =	vsub.f32 $1.000000000e+00, v30;
	v35 =	vld [tilespmem:$0x860];
	(erf) = vrcp.f32 v34  }
0x144: {  	v36 =	vld [tilespmem:$0x5D0];
	v31 =	vmax.f32 v31, $0.0e+00;
	(erf) = vpow2.f32 v27  }
0x145: {  	v61 =	vld [tilespmem:$0x3D0];
	v33 =	vmax.f32 v33, $0.0e+00;
	v31 =	vmin.f32 v31, $1.000000000e+00;
	v0 =	vmul.f32 v0, v60  }
0x146: {  	v63 =	vld [tilespmem:$0x7D0];
	v33 =	vmin.f32 v33, $1.000000000e+00;
	v62 =	vsub.f32 $1.000000000e+00, v31;
	v28 =	vmax.f32 v55, $0.0e+00  }
0x147: {  	v30 =	vadd.f32 v0, v30;
	v39 =	vsub.f32 $1.000000000e+00, v33;
	v28 =	vmin.f32 v28, $1.000000000e+00  }
0x148: {  	v35 =	vmax.f32 v35, $0.0e+00;
	v45 =	vld [tilespmem:$0x870];
	v29 =	vmax.f32 v58, $0.0e+00;
	v32 =	vsub.f32 $1.000000000e+00, v28  }
0x149: {  	v41 =	vmul.f32 v3, v39;
	v46 =	vmax.f32 v36, $1.000000050e-03;
	v29 =	vmin.f32 v29, $1.000000000e+00  }
0x14a: {  	v47 =	vld [tilespmem:$0x880];
	v40 =	vsub.f32 $1.000000000e+00, v29;
	v1 =	vmul.f32 v1, v32;
	v32 =	vmax.f32 v59, $0.0e+00  }
0x14b: {  	v42 =	vmin.f32 v32, $1.000000000e+00;
	v32 =	vmul.f32 $-1.702000020e+00, v46;
	v27 =	vsub.f32 v61, v63  }
0x14c: {  	v33 =	vadd.f32 v41, v33;
	v49 =	vmin.f32 v35, $1.000000000e+00;
	v43 =	vmul.f32 v4, v40;
	v0 =	vpop (erf)  }
0x14d: {  	v56 =	vld [tilespmem:$0x8B0];
	v50 =	vsub.f32 $1.000000000e+00, v49;
	v4 =	vmax.f32 v45, $0.0e+00;
	v27 =	vmul.f32 v27, v32;
	v52 =	vpop (erf)  }
0x14e: {  	v53 =	vld [tilespmem:$0x8A0];
	v4 =	vmin.f32 v4, $1.000000000e+00;
	v3 =	vadd.f32 v43, v29;
	v54 =	vadd.f32 $1.000000000e+00, v52  }
0x14f: {  	v60 =	vld [tilespmem:$0x5E0];
	v57 =	vsub.f32 $1.000000000e+00, v4;
	v55 =	vmax.f32 v47, $0.0e+00;
	v27 =	vmul.f32 $1.442695020e+00, v27  }
0x150: {  	v37 =	vld [tilespmem:$0x8C0];
	v29 =	vmin.f32 v55, $1.000000000e+00;
	v28 =	vadd.f32 v1, v28;
	(erf) = vrcp.f32 v54  }
0x151: {  	v41 =	vld [tilespmem:$0x8E0];
	v1 =	vmul.f32 v2, v62;
	v44 =	vsub.f32 $1.000000000e+00, v42;
	(erf) = vpow2.f32 v27  }
0x152: {  	v7 =	vmul.f32 v7, v50;
	v58 =	vld [tilespmem:$0x3E0];
	v6 =	vmul.f32 v6, v57;
	v59 =	vsub.f32 $1.000000000e+00, v29  }
0x153: {  	v62 =	vld [tilespmem:$0x7E0];
	v31 =	vadd.f32 v1, v31;
	v48 =	vmul.f32 v5, v44;
	v1 =	vmax.f32 v53, $0.0e+00  }
0x154: {  	v51 =	vld [tilespmem:$0x890];
	v5 =	vadd.f32 v7, v49;
	v7 =	vmul.f32 v8, v59;
	v1 =	vmin.f32 v1, $1.000000000e+00  }
0x155: {  	v40 =	vld [tilespmem:$0x8D0];
	v4 =	vadd.f32 v6, v4;
	v38 =	vsub.f32 $1.000000000e+00, v1  }
0x156: {  	v39 =	vmax.f32 v56, $0.0e+00;
	v2 =	vadd.f32 v48, v42;
	v7 =	vadd.f32 v7, v29  }
0x157: {  	v42 =	vmax.f32 v60, $1.000000050e-03;
	v48 =	vld [tilespmem:$0x900];
	v6 =	vmul.f32 v11, v38;
	v11 =	vmax.f32 v41, $0.0e+00  }
0x158: {  	v35 =	vmul.f32 $-1.702000020e+00, v42;
	v11 =	vmin.f32 v11, $1.000000000e+00;
	v27 =	vsub.f32 v58, v62  }
0x159: {  	v44 =	vmax.f32 v37, $0.0e+00;
	v6 =	vadd.f32 v6, v1;
	v50 =	vsub.f32 $1.000000000e+00, v11;
	v1 =	vpop (erf)  }
0x15a: {  	v29 =	vmax.f32 v40, $0.0e+00;
	v34 =	vmax.f32 v51, $0.0e+00;
	v27 =	vmul.f32 v27, v35;
	v46 =	vpop (erf)  }
0x15b: {  	v61 =	vmin.f32 v34, $1.000000000e+00;
	v14 =	vmul.f32 v14, v50;
	v36 =	vadd.f32 $1.000000000e+00, v46  }
0x15c: {  	v45 =	vld [tilespmem:$0x8F0];
	v57 =	vmax.f32 v48, $0.0e+00;
	v63 =	vsub.f32 $1.000000000e+00, v61;
	v27 =	vmul.f32 $1.442695020e+00, v27  }
0x15d: {  	v55 =	vld [tilespmem:$0x7F0];
	v32 =	vmin.f32 v44, $1.000000000e+00;
	v11 =	vadd.f32 v14, v11;
	(erf) = vrcp.f32 v36  }
0x15e: {  	v38 =	vld [tilespmem:$0x910];
	v14 =	vmin.f32 v57, $1.000000000e+00;
	v47 =	vsub.f32 $1.000000000e+00, v32;
	(erf) = vpow2.f32 v27  }
0x15f: {  	v8 =	vmul.f32 v9, v63;
	v9 =	vmin.f32 v39, $1.000000000e+00;
	v60 =	vsub.f32 $1.000000000e+00, v14;
	v54 =	vld [tilespmem:$0x5F0]  }
0x160: {  	v29 =	vmin.f32 v29, $1.000000000e+00;
	v51 =	vld [tilespmem:$0x3F0];
	v43 =	vsub.f32 $1.000000000e+00, v9;
	v10 =	vmul.f32 v10, v47  }
0x161: {  	v53 =	vmax.f32 v45, $0.0e+00;
	v42 =	vld [tilespmem:$0x950];
	v39 =	vsub.f32 $1.000000000e+00, v29;
	v40 =	vmul.f32 v17, v60  }
0x162: {  	v8 =	vadd.f32 v8, v61;
	v12 =	vmul.f32 v12, v43;
	v10 =	vadd.f32 v10, v32  }
0x163: {  	v14 =	vadd.f32 v40, v14;
	v52 =	vmul.f32 v13, v39;
	v13 =	vmin.f32 v53, $1.000000000e+00  }
0x164: {  	v56 =	vsub.f32 $1.000000000e+00, v13;
	v58 =	vmax.f32 v38, $0.0e+00;
	v62 =	vld [tilespmem:$0x930];
	v34 =	vmax.f32 v54, $1.000000050e-03  }
0x165: {  	v59 =	vmin.f32 v58, $1.000000000e+00;
	v58 =	vld [tilespmem:$0x990];
	v34 =	vmul.f32 $-1.702000020e+00, v34;
	v27 =	vsub.f32 v51, v55  }
0x166: {  	v49 =	vld [tilespmem:$0x920];
	[tilespmem:$0xA00] =	vst v28;
	v28 =	vmax.f32 v42, $0.0e+00;
	v9 =	vadd.f32 v12, v9;
	v61 =	vsub.f32 $1.000000000e+00, v59;
	v35 =	vpop (erf)  }
0x167: {  	[tilespmem:$0xA10] =	vst v30;
	v63 =	vld [tilespmem:$0x940];
	v12 =	vadd.f32 v52, v29;
	v16 =	vmul.f32 v16, v56;
	v27 =	vmul.f32 v27, v34;
	v45 =	vpop (erf)  }
0x168: {  	[tilespmem:$0xA30] =	vst v33;
	v40 =	vld [tilespmem:$0x9E0];
	v19 =	vmul.f32 v19, v61;
	v54 =	vmin.f32 v28, $1.000000000e+00;
	v47 =	vadd.f32 $1.000000000e+00, v45  }
0x169: {  	[tilespmem:$0xA40] =	vst v3;
	v61 =	vld [tilespmem:$0x9A0];
	v48 =	vmax.f32 v62, $0.0e+00;
	v57 =	vsub.f32 $1.000000000e+00, v54;
	v27 =	vmul.f32 $1.442695020e+00, v27  }
0x16a: {  	[tilespmem:$0xA70] =	vst v4;
	v50 =	vmin.f32 v48, $1.000000000e+00;
	v30 =	vmax.f32 v58, $0.0e+00;
	v46 =	vld [tilespmem:$0x970];
	(erf) = vrcp.f32 v47  }
0x16b: {  	[tilespmem:$0xA80] =	vst v7;
	v44 =	vld [tilespmem:$0x960];
	v52 =	vsub.f32 $1.000000000e+00, v50;
	v7 =	vmul.f32 v21, v57;
	(erf) = vpow2.f32 v27  }
0x16c: {  	[tilespmem:$0xAD0] =	vst v12;
	v13 =	vadd.f32 v16, v13;
	v19 =	vadd.f32 v19, v59;
	v12 =	vmin.f32 v30, $1.000000000e+00  }
0x16d: {  	[tilespmem:$0xA60] =	vst v5;
	v37 =	vsub.f32 $1.000000000e+00, v12;
	v5 =	vmul.f32 v15, v52;
	v4 =	vadd.f32 v7, v54  }
0x16e: {  	[tilespmem:$0xA20] =	vst v31;
	v32 =	vmax.f32 v61, $0.0e+00;
	v52 =	vmax.f32 v40, $0.0e+00;
	v36 =	vmax.f32 v49, $0.0e+00  }
0x16f: {  	[tilespmem:$0xA50] =	vst v2;
	v49 =	vmax.f32 v63, $0.0e+00;
	v41 =	vmin.f32 v36, $1.000000000e+00;
	v16 =	vmax.f32 v46, $0.0e+00  }
0x170: {  	[tilespmem:$0xAA0] =	vst v6;
	v56 =	vld [tilespmem:$0x980];
	v55 =	vmax.f32 v44, $0.0e+00;
	v43 =	vsub.f32 $1.000000000e+00, v41;
	v16 =	vmin.f32 v16, $1.000000000e+00  }
0x171: {  	[tilespmem:$0xAE0] =	vst v11;
	v39 =	vld [tilespmem:$0x9D0];
	v51 =	vmin.f32 v49, $1.000000000e+00;
	v28 =	vmin.f32 v55, $1.000000000e+00;
	v60 =	vsub.f32 $1.000000000e+00, v16  }
0x172: {  	[tilespmem:$0xA90] =	vst v8;
	v53 =	vsub.f32 $1.000000000e+00, v51;
	v59 =	vsub.f32 $1.000000000e+00, v28;
	v20 =	vmul.f32 v20, v43  }
0x173: {  	[tilespmem:$0xAC0] =	vst v10;
	v2 =	vadd.f32 v5, v50;
	v36 =	vld [tilespmem:$0x9C0];
	v34 =	vmin.f32 v32, $1.000000000e+00;
	v21 =	vmul.f32 v25, v60;
	v27 =	vpop (erf)  }
0x174: {  	[tilespmem:$0xB00] =	vst v14;
	v63 =	vmul.f32 v18, v53;
	v62 =	vadd.f32 v20, v41;
	v20 =	vmul.f32 v23, v59;
	v33 =	vpop (erf)  }
0x175: {  	[tilespmem:$0xAB0] =	vst v9;
	v43 =	vld [tilespmem:$0x9F0];
	v23 =	vmax.f32 v56, $0.0e+00;
	v8 =	vadd.f32 v21, v16;
	v16 =	vadd.f32 $1.000000000e+00, v33  }
0x176: {  	[tilespmem:$0xAF0] =	vst v13;
	v50 =	vmax.f32 v39, $0.0e+00;
	v38 =	vsub.f32 $1.000000000e+00, v34;
	v25 =	vld [tilespmem:$0x9B0];
	v7 =	vmin.f32 v23, $1.000000000e+00  }
0x177: {  	[tilespmem:$0xB10] =	vst v19;
	v3 =	vadd.f32 v63, v51;
	v29 =	vsub.f32 $1.000000000e+00, v7;
	(erf) = vrcp.f32 v16  }
0x178: {  	[tilespmem:$0xB50] =	vst v4;
	v41 =	vmul.f32 v24, v37;
	v42 =	vmul.f32 v26, v38;
	v48 =	vmax.f32 v36, $0.0e+00  }
0x179: {  	[tilespmem:$0xB30] =	vst v2;
	v49 =	vmin.f32 v48, $1.000000000e+00;
	v5 =	vadd.f32 v20, v28;
	v11 =	vmul.f32 v22, v29  }
0x17a: {  	[tilespmem:$0xB20] =	vst v62;
	v46 =	vadd.f32 v41, v12;
	v51 =	vsub.f32 $1.000000000e+00, v49;
	v54 =	vmax.f32 v43, $0.0e+00  }
0x17b: {  	[tilespmem:$0xB40] =	vst v3;
	v9 =	vmax.f32 v25, $0.0e+00;
	v44 =	vadd.f32 v11, v7;
	v7 =	vmin.f32 v50, $1.000000000e+00  }
0x17c: {  	[tilespmem:$0xB60] =	vst v5;
	v1 =	vmul.f32 v1, v51;
	v9 =	vmin.f32 v9, $1.000000000e+00;
	v53 =	vsub.f32 $1.000000000e+00, v7  }
0x17d: {  	v56 =	vmin.f32 v54, $1.000000000e+00;
	[tilespmem:$0xB90] =	vst v46;
	v11 =	vmin.f32 v52, $1.000000000e+00;
	v45 =	vsub.f32 $1.000000000e+00, v9  }
0x17e: {  	[tilespmem:$0xB70] =	vst v8;
	v1 =	vadd.f32 v1, v49;
	v55 =	vsub.f32 $1.000000000e+00, v11;
	v57 =	vmul.f32 v35, v53  }
0x17f: {  	v58 =	vsub.f32 $1.000000000e+00, v56;
	v47 =	vadd.f32 v42, v34;
	[tilespmem:$0xB80] =	vst v44;
	v0 =	vmul.f32 v0, v45  }
0x180: {  	[tilespmem:$0xBC0] =	vst v1;
	v60 =	vadd.f32 v57, v7;
	v2 =	vmul.f32 v27, v55;
	v59 =	vpop (erf)  }
0x181: {  	[tilespmem:$0xBA0] =	vst v47;
	v0 =	vadd.f32 v0, v9;
	v61 =	vmul.f32 v59, v58  }
0x182: {  	[tilespmem:$0xBD0] =	vst v60;
	v62 =	vadd.f32 v2, v11  }
0x183: {  	[tilespmem:$0xBB0] =	vst v0;
	v63 =	vadd.f32 v61, v56  }
0x184: {  	p0 =	sne.s32 s9, $0x1;
	[tilespmem:$0xBE0] =	vst v62  }
.Ltmp0:
0x185: {  	[tilespmem:$0xBF0] =	vst v63;
	(pc) =	sbr.rel @p0 .LBB2_1-.Ltmp0, $4  }
0x186: {  	[hbm4b:s8+s2] =	stream.linear.scatter [tilespmem:s17], [sflag:$0x3], $0x200, $0x38;
	[tilespmem:$0xC00] =	vst v63  }
0x187: {  	_ =	swait.ge [sflag:s10], $0x200  }
0x188: {  	[sflag:s10] =	ssyncset.done $0x0  }
0x189: {  	s9 =	sadd.s32 $0xFFFFFFFF, s9;
	[sflag:s10] =	ssyncadd.s32 $0xFFFFFE00  }
0x18a: {  	_ =	sfence.sel $0x180000  }
0x18b: {  	[bflag:$0x0] =	sbarrier.arrive $0xFFFF  }
0x18c: {  	p0 =	sne.s32 s1, $0x0;
	_ =	strace $0x9000004A  }
0x18d: {  	s0 =	sadd.s32 @!p0 $0x100000, s0;
	[bflag:$0x2] =	sbarrier.arrive $0xFFFF  }
0x18e: {  	[sflag:s0] =	ssyncadd.tile.s32 @!p0 $0x1;
	_ =	shalt  }
.Lfunc_end2:
_tile_overlayer_lowered:
.L_overlay_start_2:
0x18f: {  	(tag) =	ssettag $0x2  }
0x190: {  	s0 =	rddreg [dreg:$0x0];
	s2 =	stileid.u32  }
0x191: {  	s1 =	rddreg [dreg:$0x1];
	p0 =	sne.s32 s2, $0x0  }
0x192: {  	s3 =	rddreg [dreg:$0x2];
	[bflag:$0x3] =	sbarrier.arrive $0xFFFF;
	s2 =	simm.s32 @!p0 $0x1C03  }
0x193: {  	[timem:s3], [sflag:s2] =	dma.local @!p0 [hbm:s0], s1  }
0x194: {  	s0 =	simm.s32 @!p0 $0x3  }
0x195: {  	_ =	swait.ge @!p0 [sflag:s0], s1  }
0x196: {  	s1 =	ssub.s32 @!p0 $0x0, s1;
	[sflag:s0] =	ssyncset.done @!p0 $0x0  }
0x197: {  	[sflag:s0] =	ssyncadd.s32 @!p0 s1  }
0x198: {  	[bflag:$0x3] =	sbarrier.arrive $0xFFFF  }
0x199: {  	_ =	shalt  }

</sc_bundles>
